<compile_context>
chip_gen: v7x
topology: tpu7x:2x2x1
jax: 0.10.2.dev20260603
libtpu: 0.0.44.dev20260713+nightly
codegen_flags: <defaults>
</compile_context>

<pallas_src>
import functools

import jax
import jax.numpy as jnp
from jax import lax
from jax.experimental import pallas as pl
from jax.experimental.pallas import tpu as pltpu
from jax.experimental.pallas import tpu_sc as plsc

BATCH = 16384
EMBED = 16
NUM_CORES = 2
NUM_SUBCORES = 16
NW = NUM_CORES * NUM_SUBCORES
B_PER_W = BATCH // NW
CHUNK = 128
N_CHUNKS = B_PER_W // CHUNK

MAX_RATING = 5.0
MIN_RATING = 0.5



U_BLK = 102400
M_BLK = 10240


def _matvec_body(ut_ref, mt_ref, w_ref, b_ref, ou_ref, om_ref):
    w = w_ref[...]
    dn = (((1,), (0,)), ((), ()))
    ou = jax.lax.dot_general(w[:, :EMBED], ut_ref[...], dn,
                             preferred_element_type=jnp.float32)
    om = jax.lax.dot_general(w[:, EMBED:], mt_ref[...], dn,
                             preferred_element_type=jnp.float32)
    ou_ref[...] = ou.reshape(ou_ref.shape) + b_ref[0, 0]
    om_ref[...] = om.reshape(om_ref.shape)


def _matvec2(ut, mt, w, b11):
    nu = ut.shape[1]
    nm = mt.shape[1]
    grid = (nu + U_BLK - 1) // U_BLK
    assert (nm + M_BLK - 1) // M_BLK == grid
    return pl.pallas_call(
        _matvec_body,
        grid=(grid,),
        in_specs=[
            pl.BlockSpec((EMBED, U_BLK), lambda i: (0, i)),
            pl.BlockSpec((EMBED, M_BLK), lambda i: (0, i)),
            pl.BlockSpec((1, 2 * EMBED), lambda i: (0, 0)),
            pl.BlockSpec((1, 1), lambda i: (0, 0)),
        ],
        out_specs=(
            pl.BlockSpec((U_BLK,), lambda i: (i,)),
            pl.BlockSpec((M_BLK,), lambda i: (i,)),
        ),
        out_shape=(
            jax.ShapeDtypeStruct((nu,), jnp.float32),
            jax.ShapeDtypeStruct((nm,), jnp.float32),
        ),
        compiler_params=pltpu.CompilerParams(
            dimension_semantics=("parallel",),
        ),
    )(ut, mt, w, b11)



def _sc_body(uid_hbm, mid_hbm, su_hbm, sm_hbm, out_hbm,
             uidx, midx, sus, sms, outv, usem, msem):
    wid = lax.axis_index("s") * NUM_CORES + lax.axis_index("c")
    base = wid * B_PER_W

    idc_u = pltpu.async_copy(uid_hbm.at[pl.ds(base, B_PER_W)], uidx, usem)
    idc_m = pltpu.async_copy(mid_hbm.at[pl.ds(base, B_PER_W)], midx, msem)
    idc_u.wait()
    idc_m.wait()

    ucs, mcs = [], []
    for c in range(N_CHUNKS):
        sl = pl.ds(c * CHUNK, CHUNK)
        ucs.append(pltpu.async_copy(su_hbm.at[uidx.at[sl]], sus.at[sl], usem))
        mcs.append(pltpu.async_copy(sm_hbm.at[midx.at[sl]], sms.at[sl], msem))

    for c in range(N_CHUNKS):
        ucs[c].wait()
        mcs[c].wait()
        for g in range(c * (CHUNK // EMBED), (c + 1) * (CHUNK // EMBED)):
            off = g * EMBED
            v = sus[pl.ds(off, EMBED)] + sms[pl.ds(off, EMBED)]
            y = (MAX_RATING - MIN_RATING) / (1.0 + jnp.exp(-v)) + MIN_RATING
            outv[pl.ds(off, EMBED)] = y

    pltpu.sync_copy(outv, out_hbm.at[pl.ds(base, B_PER_W)])


@functools.partial(
    pl.kernel,
    mesh=plsc.VectorSubcoreMesh(core_axis_name="c", subcore_axis_name="s"),
    out_type=jax.ShapeDtypeStruct((BATCH,), jnp.float32),
    compiler_params=pltpu.CompilerParams(
        needs_layout_passes=False, use_tc_tiling_on_sc=False
    ),
    scratch_types=[
        pltpu.VMEM((B_PER_W,), jnp.int32),
        pltpu.VMEM((B_PER_W,), jnp.int32),
        pltpu.VMEM((B_PER_W,), jnp.float32),
        pltpu.VMEM((B_PER_W,), jnp.float32),
        pltpu.VMEM((B_PER_W,), jnp.float32),
        pltpu.SemaphoreType.DMA,
        pltpu.SemaphoreType.DMA,
    ],
)
def _sc_combine(*refs):
    _sc_body(*refs)


def kernel(user_ids, movie_ids, user_table, movie_table, W, b):
    uid = user_ids.astype(jnp.int32)
    mid = movie_ids.astype(jnp.int32)
    su, sm = _matvec2(
        user_table.T,
        movie_table.T,
        W.astype(jnp.float32),
        b.astype(jnp.float32).reshape(1, 1),
    )
    return _sc_combine(uid, mid, su, sm)

# --- scband reference (transcript-rebuilt; emitter-appended) ---
"""Pipeline reference for scband-model-61916248539252 (READ-ONLY COPY).

The authoritative reference and input builder live on the scoring server;
editing this copy changes nothing except your own understanding.
"""

import jax, jax.numpy as jnp
import numpy as np

N_USERS = 1000000
N_MOVIES = 100000
EMBED_DIM = 16
BATCH = 16384
MAX_RATING = 5.0
MIN_RATING = 0.5

def setup_inputs(seed: int = 0) -> dict:
    key = jax.random.key(seed)
    k1, k2, k3, k4, k5 = jax.random.split(key, 5)
    user_ids = jax.random.randint(k1, (BATCH,), 0, N_USERS, dtype=jnp.int64) if jax.config.jax_enable_x64 else jax.random.randint(k1, (BATCH,), 0, N_USERS).astype(jnp.int32)
    movie_ids = jax.random.randint(k2, (BATCH,), 0, N_MOVIES).astype(user_ids.dtype)
    user_table = jax.random.normal(k3, (N_USERS, EMBED_DIM), dtype=jnp.float32)
    movie_table = jax.random.normal(k4, (N_MOVIES, EMBED_DIM), dtype=jnp.float32)
    # nn.Linear(embedding_dim*2, 1): W [1, 32], bias filled with logit((3.9-0.5)/(5.0-0.5))
    W = jax.random.normal(k5, (1, EMBED_DIM * 2), dtype=jnp.float32) * (1.0 / np.sqrt(EMBED_DIM * 2))
    p = (3.9 - MIN_RATING) / (MAX_RATING - MIN_RATING)
    bias_val = float(np.log(p / (1.0 - p)))
    b = jnp.full((1,), bias_val, dtype=jnp.float32)
    return {"user_ids": user_ids, "movie_ids": movie_ids, "user_table": user_table, "movie_table": movie_table, "W": W, "b": b}

def reference(user_ids, movie_ids, user_table, movie_table, W, b):
    user_embeds = jnp.take(user_table, user_ids, axis=0)
    movie_embeds = jnp.take(movie_table, movie_ids, axis=0)
    embeds_concat = jnp.concatenate([user_embeds, movie_embeds], axis=1)
    output = embeds_concat @ W.T + b
    rating = jax.nn.sigmoid(output) * (MAX_RATING - MIN_RATING) + MIN_RATING
    return rating.flatten()

if __name__ == "__main__":
    import jax
    _d = setup_inputs()
    print(jax.jit(kernel)(*tuple(_d.values())))

</pallas_src>

<mosaic_0001>
#map = affine_map<(d0, d1) -> (0)>
module attributes {stable_mosaic.version = 14 : i64} {
  func.func @_sc_combine(%arg0: i32, %arg1: i32, %arg2: memref<16384xi32, #tpu.memory_space<hbm>>, %arg3: memref<16384xi32, #tpu.memory_space<hbm>>, %arg4: memref<1000000xf32, #tpu.memory_space<hbm>>, %arg5: memref<100000xf32, #tpu.memory_space<hbm>>, %arg6: memref<16384xf32, #tpu.memory_space<hbm>>, %arg7: memref<512xi32, #tpu.memory_space<vmem>>, %arg8: memref<512xi32, #tpu.memory_space<vmem>>, %arg9: memref<512xf32, #tpu.memory_space<vmem>>, %arg10: memref<512xf32, #tpu.memory_space<vmem>>, %arg11: memref<512xf32, #tpu.memory_space<vmem>>, %arg12: memref<!tpu.dma_semaphore, #tpu.memory_space<semaphore_mem>>, %arg13: memref<!tpu.dma_semaphore, #tpu.memory_space<semaphore_mem>>) attributes {dimension_semantics = [#tpu.dimension_semantics<core_parallel>, #tpu.dimension_semantics<subcore_parallel>], iteration_bounds = array<i64: 2, 16>, scalar_prefetch = 0 : i64, scratch_operands = 7 : i64, tpu.core_type = #tpu.core_type<sc_vector_subcore>, window_params = [{transform_indices = #map}, {transform_indices = #map}, {transform_indices = #map}, {transform_indices = #map}, {transform_indices = #map}]} {
    %mul3A = arith.constant 2 : i32
    %mul3A_0 = arith.muli %arg1, %mul3A : i32
    %add3A = arith.addi %mul3A_0, %arg0 : i32
    %mul3A_1 = arith.constant 512 : i32
    %mul3A_2 = arith.muli %add3A, %mul3A_1 : i32
    %dma_start3A = tpu.memref_slice %arg2[%mul3A_2] : memref<16384xi32, #tpu.memory_space<hbm>> -> memref<512xi32, #tpu.memory_space<hbm>>
    %dma_start3A_3 = tpu.memref_slice %arg2[%mul3A_2] : memref<16384xi32, #tpu.memory_space<hbm>> -> memref<512xi32, #tpu.memory_space<hbm>>
    tpu.enqueue_dma source(%dma_start3A_3 : memref<512xi32, #tpu.memory_space<hbm>>) target(%arg7 : memref<512xi32, #tpu.memory_space<vmem>>) target_semaphore(%arg12 : memref<!tpu.dma_semaphore, #tpu.memory_space<semaphore_mem>>)
    %dma_start3A_4 = tpu.memref_slice %arg3[%mul3A_2] : memref<16384xi32, #tpu.memory_space<hbm>> -> memref<512xi32, #tpu.memory_space<hbm>>
    %dma_start3A_5 = tpu.memref_slice %arg3[%mul3A_2] : memref<16384xi32, #tpu.memory_space<hbm>> -> memref<512xi32, #tpu.memory_space<hbm>>
    tpu.enqueue_dma source(%dma_start3A_5 : memref<512xi32, #tpu.memory_space<hbm>>) target(%arg8 : memref<512xi32, #tpu.memory_space<vmem>>) target_semaphore(%arg13 : memref<!tpu.dma_semaphore, #tpu.memory_space<semaphore_mem>>)
    %dma_wait3A = tpu.memref_slice %arg2[%mul3A_2] : memref<16384xi32, #tpu.memory_space<hbm>> -> memref<512xi32, #tpu.memory_space<hbm>>
    %dma_wait3A_6 = tpu.memref_slice %arg2[%mul3A_2] : memref<16384xi32, #tpu.memory_space<hbm>> -> memref<512xi32, #tpu.memory_space<hbm>>
    tpu.wait_dma2 semaphore(%arg12 : memref<!tpu.dma_semaphore, #tpu.memory_space<semaphore_mem>>) src(%dma_wait3A_6 : memref<512xi32, #tpu.memory_space<hbm>>) dst(%arg7 : memref<512xi32, #tpu.memory_space<vmem>>)
    %dma_wait3A_7 = tpu.memref_slice %arg3[%mul3A_2] : memref<16384xi32, #tpu.memory_space<hbm>> -> memref<512xi32, #tpu.memory_space<hbm>>
    %dma_wait3A_8 = tpu.memref_slice %arg3[%mul3A_2] : memref<16384xi32, #tpu.memory_space<hbm>> -> memref<512xi32, #tpu.memory_space<hbm>>
    tpu.wait_dma2 semaphore(%arg13 : memref<!tpu.dma_semaphore, #tpu.memory_space<semaphore_mem>>) src(%dma_wait3A_8 : memref<512xi32, #tpu.memory_space<hbm>>) dst(%arg8 : memref<512xi32, #tpu.memory_space<vmem>>)
    %dma_start3A_9 = arith.constant 0 : i32
    %dma_start3A_10 = tpu.memref_slice %arg9[%dma_start3A_9] : memref<512xf32, #tpu.memory_space<vmem>> -> memref<128xf32, #tpu.memory_space<vmem>>
    %dma_start3A_11 = arith.constant 0 : i32
    %dma_start3A_12 = tpu.memref_slice %arg7[%dma_start3A_11] : memref<512xi32, #tpu.memory_space<vmem>> -> memref<128xi32, #tpu.memory_space<vmem>>
    %dma_start3A_13 = arith.constant 0 : i32
    %dma_start3A_14 = tpu.memref_slice %arg4[%dma_start3A_13] : memref<1000000xf32, #tpu.memory_space<hbm>> -> memref<1000000xf32, #tpu.memory_space<hbm>>
    tpu.enqueue_indirect_dma source(%dma_start3A_14 : memref<1000000xf32, #tpu.memory_space<hbm>>) target(%dma_start3A_10 : memref<128xf32, #tpu.memory_space<vmem>>) offsets(%dma_start3A_12 : memref<128xi32, #tpu.memory_space<vmem>>) semaphore(%arg12 : memref<!tpu.dma_semaphore, #tpu.memory_space<semaphore_mem>>)
    %dma_start3A_15 = arith.constant 0 : i32
    %dma_start3A_16 = tpu.memref_slice %arg10[%dma_start3A_15] : memref<512xf32, #tpu.memory_space<vmem>> -> memref<128xf32, #tpu.memory_space<vmem>>
    %dma_start3A_17 = arith.constant 0 : i32
    %dma_start3A_18 = tpu.memref_slice %arg8[%dma_start3A_17] : memref<512xi32, #tpu.memory_space<vmem>> -> memref<128xi32, #tpu.memory_space<vmem>>
    %dma_start3A_19 = arith.constant 0 : i32
    %dma_start3A_20 = tpu.memref_slice %arg5[%dma_start3A_19] : memref<100000xf32, #tpu.memory_space<hbm>> -> memref<100000xf32, #tpu.memory_space<hbm>>
    tpu.enqueue_indirect_dma source(%dma_start3A_20 : memref<100000xf32, #tpu.memory_space<hbm>>) target(%dma_start3A_16 : memref<128xf32, #tpu.memory_space<vmem>>) offsets(%dma_start3A_18 : memref<128xi32, #tpu.memory_space<vmem>>) semaphore(%arg13 : memref<!tpu.dma_semaphore, #tpu.memory_space<semaphore_mem>>)
    %dma_start3A_21 = arith.constant 128 : i32
    %dma_start3A_22 = tpu.memref_slice %arg9[%dma_start3A_21] : memref<512xf32, #tpu.memory_space<vmem>> -> memref<128xf32, #tpu.memory_space<vmem>>
    %dma_start3A_23 = arith.constant 128 : i32
    %dma_start3A_24 = tpu.memref_slice %arg7[%dma_start3A_23] : memref<512xi32, #tpu.memory_space<vmem>> -> memref<128xi32, #tpu.memory_space<vmem>>
    %dma_start3A_25 = arith.constant 0 : i32
    %dma_start3A_26 = tpu.memref_slice %arg4[%dma_start3A_25] : memref<1000000xf32, #tpu.memory_space<hbm>> -> memref<1000000xf32, #tpu.memory_space<hbm>>
    tpu.enqueue_indirect_dma source(%dma_start3A_26 : memref<1000000xf32, #tpu.memory_space<hbm>>) target(%dma_start3A_22 : memref<128xf32, #tpu.memory_space<vmem>>) offsets(%dma_start3A_24 : memref<128xi32, #tpu.memory_space<vmem>>) semaphore(%arg12 : memref<!tpu.dma_semaphore, #tpu.memory_space<semaphore_mem>>)
    %dma_start3A_27 = arith.constant 128 : i32
    %dma_start3A_28 = tpu.memref_slice %arg10[%dma_start3A_27] : memref<512xf32, #tpu.memory_space<vmem>> -> memref<128xf32, #tpu.memory_space<vmem>>
    %dma_start3A_29 = arith.constant 128 : i32
    %dma_start3A_30 = tpu.memref_slice %arg8[%dma_start3A_29] : memref<512xi32, #tpu.memory_space<vmem>> -> memref<128xi32, #tpu.memory_space<vmem>>
    %dma_start3A_31 = arith.constant 0 : i32
    %dma_start3A_32 = tpu.memref_slice %arg5[%dma_start3A_31] : memref<100000xf32, #tpu.memory_space<hbm>> -> memref<100000xf32, #tpu.memory_space<hbm>>
    tpu.enqueue_indirect_dma source(%dma_start3A_32 : memref<100000xf32, #tpu.memory_space<hbm>>) target(%dma_start3A_28 : memref<128xf32, #tpu.memory_space<vmem>>) offsets(%dma_start3A_30 : memref<128xi32, #tpu.memory_space<vmem>>) semaphore(%arg13 : memref<!tpu.dma_semaphore, #tpu.memory_space<semaphore_mem>>)
    %dma_start3A_33 = arith.constant 256 : i32
    %dma_start3A_34 = tpu.memref_slice %arg9[%dma_start3A_33] : memref<512xf32, #tpu.memory_space<vmem>> -> memref<128xf32, #tpu.memory_space<vmem>>
    %dma_start3A_35 = arith.constant 256 : i32
    %dma_start3A_36 = tpu.memref_slice %arg7[%dma_start3A_35] : memref<512xi32, #tpu.memory_space<vmem>> -> memref<128xi32, #tpu.memory_space<vmem>>
    %dma_start3A_37 = arith.constant 0 : i32
    %dma_start3A_38 = tpu.memref_slice %arg4[%dma_start3A_37] : memref<1000000xf32, #tpu.memory_space<hbm>> -> memref<1000000xf32, #tpu.memory_space<hbm>>
    tpu.enqueue_indirect_dma source(%dma_start3A_38 : memref<1000000xf32, #tpu.memory_space<hbm>>) target(%dma_start3A_34 : memref<128xf32, #tpu.memory_space<vmem>>) offsets(%dma_start3A_36 : memref<128xi32, #tpu.memory_space<vmem>>) semaphore(%arg12 : memref<!tpu.dma_semaphore, #tpu.memory_space<semaphore_mem>>)
    %dma_start3A_39 = arith.constant 256 : i32
    %dma_start3A_40 = tpu.memref_slice %arg10[%dma_start3A_39] : memref<512xf32, #tpu.memory_space<vmem>> -> memref<128xf32, #tpu.memory_space<vmem>>
    %dma_start3A_41 = arith.constant 256 : i32
    %dma_start3A_42 = tpu.memref_slice %arg8[%dma_start3A_41] : memref<512xi32, #tpu.memory_space<vmem>> -> memref<128xi32, #tpu.memory_space<vmem>>
    %dma_start3A_43 = arith.constant 0 : i32
    %dma_start3A_44 = tpu.memref_slice %arg5[%dma_start3A_43] : memref<100000xf32, #tpu.memory_space<hbm>> -> memref<100000xf32, #tpu.memory_space<hbm>>
    tpu.enqueue_indirect_dma source(%dma_start3A_44 : memref<100000xf32, #tpu.memory_space<hbm>>) target(%dma_start3A_40 : memref<128xf32, #tpu.memory_space<vmem>>) offsets(%dma_start3A_42 : memref<128xi32, #tpu.memory_space<vmem>>) semaphore(%arg13 : memref<!tpu.dma_semaphore, #tpu.memory_space<semaphore_mem>>)
    %dma_start3A_45 = arith.constant 384 : i32
    %dma_start3A_46 = tpu.memref_slice %arg9[%dma_start3A_45] : memref<512xf32, #tpu.memory_space<vmem>> -> memref<128xf32, #tpu.memory_space<vmem>>
    %dma_start3A_47 = arith.constant 384 : i32
    %dma_start3A_48 = tpu.memref_slice %arg7[%dma_start3A_47] : memref<512xi32, #tpu.memory_space<vmem>> -> memref<128xi32, #tpu.memory_space<vmem>>
    %dma_start3A_49 = arith.constant 0 : i32
    %dma_start3A_50 = tpu.memref_slice %arg4[%dma_start3A_49] : memref<1000000xf32, #tpu.memory_space<hbm>> -> memref<1000000xf32, #tpu.memory_space<hbm>>
    tpu.enqueue_indirect_dma source(%dma_start3A_50 : memref<1000000xf32, #tpu.memory_space<hbm>>) target(%dma_start3A_46 : memref<128xf32, #tpu.memory_space<vmem>>) offsets(%dma_start3A_48 : memref<128xi32, #tpu.memory_space<vmem>>) semaphore(%arg12 : memref<!tpu.dma_semaphore, #tpu.memory_space<semaphore_mem>>)
    %dma_start3A_51 = arith.constant 384 : i32
    %dma_start3A_52 = tpu.memref_slice %arg10[%dma_start3A_51] : memref<512xf32, #tpu.memory_space<vmem>> -> memref<128xf32, #tpu.memory_space<vmem>>
    %dma_start3A_53 = arith.constant 384 : i32
    %dma_start3A_54 = tpu.memref_slice %arg8[%dma_start3A_53] : memref<512xi32, #tpu.memory_space<vmem>> -> memref<128xi32, #tpu.memory_space<vmem>>
    %dma_start3A_55 = arith.constant 0 : i32
    %dma_start3A_56 = tpu.memref_slice %arg5[%dma_start3A_55] : memref<100000xf32, #tpu.memory_space<hbm>> -> memref<100000xf32, #tpu.memory_space<hbm>>
    tpu.enqueue_indirect_dma source(%dma_start3A_56 : memref<100000xf32, #tpu.memory_space<hbm>>) target(%dma_start3A_52 : memref<128xf32, #tpu.memory_space<vmem>>) offsets(%dma_start3A_54 : memref<128xi32, #tpu.memory_space<vmem>>) semaphore(%arg13 : memref<!tpu.dma_semaphore, #tpu.memory_space<semaphore_mem>>)
    %dma_wait3A_57 = arith.constant 0 : i32
    %dma_wait3A_58 = tpu.memref_slice %arg9[%dma_wait3A_57] : memref<512xf32, #tpu.memory_space<vmem>> -> memref<128xf32, #tpu.memory_space<vmem>>
    %dma_wait3A_59 = arith.constant 0 : i32
    %dma_wait3A_60 = tpu.memref_slice %arg7[%dma_wait3A_59] : memref<512xi32, #tpu.memory_space<vmem>> -> memref<128xi32, #tpu.memory_space<vmem>>
    %dma_wait3A_61 = arith.constant 0 : i32
    %dma_wait3A_62 = tpu.memref_slice %arg4[%dma_wait3A_61] : memref<1000000xf32, #tpu.memory_space<hbm>> -> memref<1000000xf32, #tpu.memory_space<hbm>>
    tpu.wait_indirect_dma semaphore(%arg12 : memref<!tpu.dma_semaphore, #tpu.memory_space<semaphore_mem>>) src(%dma_wait3A_62 : memref<1000000xf32, #tpu.memory_space<hbm>>) dst(%dma_wait3A_58 : memref<128xf32, #tpu.memory_space<vmem>>)
    %dma_wait3A_63 = arith.constant 0 : i32
    %dma_wait3A_64 = tpu.memref_slice %arg10[%dma_wait3A_63] : memref<512xf32, #tpu.memory_space<vmem>> -> memref<128xf32, #tpu.memory_space<vmem>>
    %dma_wait3A_65 = arith.constant 0 : i32
    %dma_wait3A_66 = tpu.memref_slice %arg8[%dma_wait3A_65] : memref<512xi32, #tpu.memory_space<vmem>> -> memref<128xi32, #tpu.memory_space<vmem>>
    %dma_wait3A_67 = arith.constant 0 : i32
    %dma_wait3A_68 = tpu.memref_slice %arg5[%dma_wait3A_67] : memref<100000xf32, #tpu.memory_space<hbm>> -> memref<100000xf32, #tpu.memory_space<hbm>>
    tpu.wait_indirect_dma semaphore(%arg13 : memref<!tpu.dma_semaphore, #tpu.memory_space<semaphore_mem>>) src(%dma_wait3A_68 : memref<100000xf32, #tpu.memory_space<hbm>>) dst(%dma_wait3A_64 : memref<128xf32, #tpu.memory_space<vmem>>)
    %get3A = arith.constant 0 : index
    %get3A_69 = tpu.vector_load %arg9[%get3A] {strides = array<i32>} : memref<512xf32, #tpu.memory_space<vmem>>, vector<16xf32>,
    %get3A_70 = arith.constant 0 : index
    %get3A_71 = tpu.vector_load %arg10[%get3A_70] {strides = array<i32>} : memref<512xf32, #tpu.memory_space<vmem>>, vector<16xf32>,
    %add3A_72 = arith.addf %get3A_69, %get3A_71 : vector<16xf32>
    %neg3A = arith.constant 0.000000e+00 : f32
    %neg3A_73 = vector.broadcast %neg3A : f32 to vector<16xf32>
    %neg3A_74 = arith.subf %neg3A_73, %add3A_72 : vector<16xf32>
    %exp3A = math.exp %neg3A_74 : vector<16xf32>
    %add3A_75 = arith.constant 1.000000e+00 : f32
    %add3A_76 = vector.broadcast %add3A_75 : f32 to vector<16xf32>
    %add3A_77 = arith.addf %add3A_76, %exp3A : vector<16xf32>
    %div3A = arith.constant 4.500000e+00 : f32
    %div3A_78 = vector.broadcast %div3A : f32 to vector<16xf32>
    %div3A_79 = arith.divf %div3A_78, %add3A_77 : vector<16xf32>
    %add3A_80 = arith.constant 5.000000e-01 : f32
    %add3A_81 = vector.broadcast %add3A_80 : f32 to vector<16xf32>
    %add3A_82 = arith.addf %div3A_79, %add3A_81 : vector<16xf32>
    %swap3A = arith.constant 0 : index
    %swap3A_83 = tpu.vector_load %arg11[%swap3A] {strides = array<i32>} : memref<512xf32, #tpu.memory_space<vmem>>, vector<16xf32>,
    tpu.vector_store %arg11[%swap3A], %add3A_82 {strides = array<i32>} : memref<512xf32, #tpu.memory_space<vmem>>, vector<16xf32>,
    %get3A_84 = arith.constant 16 : index
    %get3A_85 = tpu.vector_load %arg9[%get3A_84] {strides = array<i32>} : memref<512xf32, #tpu.memory_space<vmem>>, vector<16xf32>,
    %get3A_86 = arith.constant 16 : index
    %get3A_87 = tpu.vector_load %arg10[%get3A_86] {strides = array<i32>} : memref<512xf32, #tpu.memory_space<vmem>>, vector<16xf32>,
    %add3A_88 = arith.addf %get3A_85, %get3A_87 : vector<16xf32>
    %neg3A_89 = arith.constant 0.000000e+00 : f32
    %neg3A_90 = vector.broadcast %neg3A_89 : f32 to vector<16xf32>
    %neg3A_91 = arith.subf %neg3A_90, %add3A_88 : vector<16xf32>
    %exp3A_92 = math.exp %neg3A_91 : vector<16xf32>
    %add3A_93 = arith.constant 1.000000e+00 : f32
    %add3A_94 = vector.broadcast %add3A_93 : f32 to vector<16xf32>
    %add3A_95 = arith.addf %add3A_94, %exp3A_92 : vector<16xf32>
    %div3A_96 = arith.constant 4.500000e+00 : f32
    %div3A_97 = vector.broadcast %div3A_96 : f32 to vector<16xf32>
    %div3A_98 = arith.divf %div3A_97, %add3A_95 : vector<16xf32>
    %add3A_99 = arith.constant 5.000000e-01 : f32
    %add3A_100 = vector.broadcast %add3A_99 : f32 to vector<16xf32>
    %add3A_101 = arith.addf %div3A_98, %add3A_100 : vector<16xf32>
    %swap3A_102 = arith.constant 16 : index
    %swap3A_103 = tpu.vector_load %arg11[%swap3A_102] {strides = array<i32>} : memref<512xf32, #tpu.memory_space<vmem>>, vector<16xf32>,
    tpu.vector_store %arg11[%swap3A_102], %add3A_101 {strides = array<i32>} : memref<512xf32, #tpu.memory_space<vmem>>, vector<16xf32>,
    %get3A_104 = arith.constant 32 : index
    %get3A_105 = tpu.vector_load %arg9[%get3A_104] {strides = array<i32>} : memref<512xf32, #tpu.memory_space<vmem>>, vector<16xf32>,
    %get3A_106 = arith.constant 32 : index
    %get3A_107 = tpu.vector_load %arg10[%get3A_106] {strides = array<i32>} : memref<512xf32, #tpu.memory_space<vmem>>, vector<16xf32>,
    %add3A_108 = arith.addf %get3A_105, %get3A_107 : vector<16xf32>
    %neg3A_109 = arith.constant 0.000000e+00 : f32
    %neg3A_110 = vector.broadcast %neg3A_109 : f32 to vector<16xf32>
    %neg3A_111 = arith.subf %neg3A_110, %add3A_108 : vector<16xf32>
    %exp3A_112 = math.exp %neg3A_111 : vector<16xf32>
    %add3A_113 = arith.constant 1.000000e+00 : f32
    %add3A_114 = vector.broadcast %add3A_113 : f32 to vector<16xf32>
    %add3A_115 = arith.addf %add3A_114, %exp3A_112 : vector<16xf32>
    %div3A_116 = arith.constant 4.500000e+00 : f32
    %div3A_117 = vector.broadcast %div3A_116 : f32 to vector<16xf32>
    %div3A_118 = arith.divf %div3A_117, %add3A_115 : vector<16xf32>
    %add3A_119 = arith.constant 5.000000e-01 : f32
    %add3A_120 = vector.broadcast %add3A_119 : f32 to vector<16xf32>
    %add3A_121 = arith.addf %div3A_118, %add3A_120 : vector<16xf32>
    %swap3A_122 = arith.constant 32 : index
    %swap3A_123 = tpu.vector_load %arg11[%swap3A_122] {strides = array<i32>} : memref<512xf32, #tpu.memory_space<vmem>>, vector<16xf32>,
    tpu.vector_store %arg11[%swap3A_122], %add3A_121 {strides = array<i32>} : memref<512xf32, #tpu.memory_space<vmem>>, vector<16xf32>,
    %get3A_124 = arith.constant 48 : index
    %get3A_125 = tpu.vector_load %arg9[%get3A_124] {strides = array<i32>} : memref<512xf32, #tpu.memory_space<vmem>>, vector<16xf32>,
    %get3A_126 = arith.constant 48 : index
    %get3A_127 = tpu.vector_load %arg10[%get3A_126] {strides = array<i32>} : memref<512xf32, #tpu.memory_space<vmem>>, vector<16xf32>,
    %add3A_128 = arith.addf %get3A_125, %get3A_127 : vector<16xf32>
    %neg3A_129 = arith.constant 0.000000e+00 : f32
    %neg3A_130 = vector.broadcast %neg3A_129 : f32 to vector<16xf32>
    %neg3A_131 = arith.subf %neg3A_130, %add3A_128 : vector<16xf32>
    %exp3A_132 = math.exp %neg3A_131 : vector<16xf32>
    %add3A_133 = arith.constant 1.000000e+00 : f32
    %add3A_134 = vector.broadcast %add3A_133 : f32 to vector<16xf32>
    %add3A_135 = arith.addf %add3A_134, %exp3A_132 : vector<16xf32>
    %div3A_136 = arith.constant 4.500000e+00 : f32
    %div3A_137 = vector.broadcast %div3A_136 : f32 to vector<16xf32>
    %div3A_138 = arith.divf %div3A_137, %add3A_135 : vector<16xf32>
    %add3A_139 = arith.constant 5.000000e-01 : f32
    %add3A_140 = vector.broadcast %add3A_139 : f32 to vector<16xf32>
    %add3A_141 = arith.addf %div3A_138, %add3A_140 : vector<16xf32>
    %swap3A_142 = arith.constant 48 : index
    %swap3A_143 = tpu.vector_load %arg11[%swap3A_142] {strides = array<i32>} : memref<512xf32, #tpu.memory_space<vmem>>, vector<16xf32>,
    tpu.vector_store %arg11[%swap3A_142], %add3A_141 {strides = array<i32>} : memref<512xf32, #tpu.memory_space<vmem>>, vector<16xf32>,
    %get3A_144 = arith.constant 64 : index
    %get3A_145 = tpu.vector_load %arg9[%get3A_144] {strides = array<i32>} : memref<512xf32, #tpu.memory_space<vmem>>, vector<16xf32>,
    %get3A_146 = arith.constant 64 : index
    %get3A_147 = tpu.vector_load %arg10[%get3A_146] {strides = array<i32>} : memref<512xf32, #tpu.memory_space<vmem>>, vector<16xf32>,
    %add3A_148 = arith.addf %get3A_145, %get3A_147 : vector<16xf32>
    %neg3A_149 = arith.constant 0.000000e+00 : f32
    %neg3A_150 = vector.broadcast %neg3A_149 : f32 to vector<16xf32>
    %neg3A_151 = arith.subf %neg3A_150, %add3A_148 : vector<16xf32>
    %exp3A_152 = math.exp %neg3A_151 : vector<16xf32>
    %add3A_153 = arith.constant 1.000000e+00 : f32
    %add3A_154 = vector.broadcast %add3A_153 : f32 to vector<16xf32>
    %add3A_155 = arith.addf %add3A_154, %exp3A_152 : vector<16xf32>
    %div3A_156 = arith.constant 4.500000e+00 : f32
    %div3A_157 = vector.broadcast %div3A_156 : f32 to vector<16xf32>
    %div3A_158 = arith.divf %div3A_157, %add3A_155 : vector<16xf32>
    %add3A_159 = arith.constant 5.000000e-01 : f32
    %add3A_160 = vector.broadcast %add3A_159 : f32 to vector<16xf32>
    %add3A_161 = arith.addf %div3A_158, %add3A_160 : vector<16xf32>
    %swap3A_162 = arith.constant 64 : index
    %swap3A_163 = tpu.vector_load %arg11[%swap3A_162] {strides = array<i32>} : memref<512xf32, #tpu.memory_space<vmem>>, vector<16xf32>,
    tpu.vector_store %arg11[%swap3A_162], %add3A_161 {strides = array<i32>} : memref<512xf32, #tpu.memory_space<vmem>>, vector<16xf32>,
    %get3A_164 = arith.constant 80 : index
    %get3A_165 = tpu.vector_load %arg9[%get3A_164] {strides = array<i32>} : memref<512xf32, #tpu.memory_space<vmem>>, vector<16xf32>,
    %get3A_166 = arith.constant 80 : index
    %get3A_167 = tpu.vector_load %arg10[%get3A_166] {strides = array<i32>} : memref<512xf32, #tpu.memory_space<vmem>>, vector<16xf32>,
    %add3A_168 = arith.addf %get3A_165, %get3A_167 : vector<16xf32>
    %neg3A_169 = arith.constant 0.000000e+00 : f32
    %neg3A_170 = vector.broadcast %neg3A_169 : f32 to vector<16xf32>
    %neg3A_171 = arith.subf %neg3A_170, %add3A_168 : vector<16xf32>
    %exp3A_172 = math.exp %neg3A_171 : vector<16xf32>
    %add3A_173 = arith.constant 1.000000e+00 : f32
    %add3A_174 = vector.broadcast %add3A_173 : f32 to vector<16xf32>
    %add3A_175 = arith.addf %add3A_174, %exp3A_172 : vector<16xf32>
    %div3A_176 = arith.constant 4.500000e+00 : f32
    %div3A_177 = vector.broadcast %div3A_176 : f32 to vector<16xf32>
    %div3A_178 = arith.divf %div3A_177, %add3A_175 : vector<16xf32>
    %add3A_179 = arith.constant 5.000000e-01 : f32
    %add3A_180 = vector.broadcast %add3A_179 : f32 to vector<16xf32>
    %add3A_181 = arith.addf %div3A_178, %add3A_180 : vector<16xf32>
    %swap3A_182 = arith.constant 80 : index
    %swap3A_183 = tpu.vector_load %arg11[%swap3A_182] {strides = array<i32>} : memref<512xf32, #tpu.memory_space<vmem>>, vector<16xf32>,
    tpu.vector_store %arg11[%swap3A_182], %add3A_181 {strides = array<i32>} : memref<512xf32, #tpu.memory_space<vmem>>, vector<16xf32>,
    %get3A_184 = arith.constant 96 : index
    %get3A_185 = tpu.vector_load %arg9[%get3A_184] {strides = array<i32>} : memref<512xf32, #tpu.memory_space<vmem>>, vector<16xf32>,
    %get3A_186 = arith.constant 96 : index
    %get3A_187 = tpu.vector_load %arg10[%get3A_186] {strides = array<i32>} : memref<512xf32, #tpu.memory_space<vmem>>, vector<16xf32>,
    %add3A_188 = arith.addf %get3A_185, %get3A_187 : vector<16xf32>
    %neg3A_189 = arith.constant 0.000000e+00 : f32
    %neg3A_190 = vector.broadcast %neg3A_189 : f32 to vector<16xf32>
    %neg3A_191 = arith.subf %neg3A_190, %add3A_188 : vector<16xf32>
    %exp3A_192 = math.exp %neg3A_191 : vector<16xf32>
    %add3A_193 = arith.constant 1.000000e+00 : f32
    %add3A_194 = vector.broadcast %add3A_193 : f32 to vector<16xf32>
    %add3A_195 = arith.addf %add3A_194, %exp3A_192 : vector<16xf32>
    %div3A_196 = arith.constant 4.500000e+00 : f32
    %div3A_197 = vector.broadcast %div3A_196 : f32 to vector<16xf32>
    %div3A_198 = arith.divf %div3A_197, %add3A_195 : vector<16xf32>
    %add3A_199 = arith.constant 5.000000e-01 : f32
    %add3A_200 = vector.broadcast %add3A_199 : f32 to vector<16xf32>
    %add3A_201 = arith.addf %div3A_198, %add3A_200 : vector<16xf32>
    %swap3A_202 = arith.constant 96 : index
    %swap3A_203 = tpu.vector_load %arg11[%swap3A_202] {strides = array<i32>} : memref<512xf32, #tpu.memory_space<vmem>>, vector<16xf32>,
    tpu.vector_store %arg11[%swap3A_202], %add3A_201 {strides = array<i32>} : memref<512xf32, #tpu.memory_space<vmem>>, vector<16xf32>,
    %get3A_204 = arith.constant 112 : index
    %get3A_205 = tpu.vector_load %arg9[%get3A_204] {strides = array<i32>} : memref<512xf32, #tpu.memory_space<vmem>>, vector<16xf32>,
    %get3A_206 = arith.constant 112 : index
    %get3A_207 = tpu.vector_load %arg10[%get3A_206] {strides = array<i32>} : memref<512xf32, #tpu.memory_space<vmem>>, vector<16xf32>,
    %add3A_208 = arith.addf %get3A_205, %get3A_207 : vector<16xf32>
    %neg3A_209 = arith.constant 0.000000e+00 : f32
    %neg3A_210 = vector.broadcast %neg3A_209 : f32 to vector<16xf32>
    %neg3A_211 = arith.subf %neg3A_210, %add3A_208 : vector<16xf32>
    %exp3A_212 = math.exp %neg3A_211 : vector<16xf32>
    %add3A_213 = arith.constant 1.000000e+00 : f32
    %add3A_214 = vector.broadcast %add3A_213 : f32 to vector<16xf32>
    %add3A_215 = arith.addf %add3A_214, %exp3A_212 : vector<16xf32>
    %div3A_216 = arith.constant 4.500000e+00 : f32
    %div3A_217 = vector.broadcast %div3A_216 : f32 to vector<16xf32>
    %div3A_218 = arith.divf %div3A_217, %add3A_215 : vector<16xf32>
    %add3A_219 = arith.constant 5.000000e-01 : f32
    %add3A_220 = vector.broadcast %add3A_219 : f32 to vector<16xf32>
    %add3A_221 = arith.addf %div3A_218, %add3A_220 : vector<16xf32>
    %swap3A_222 = arith.constant 112 : index
    %swap3A_223 = tpu.vector_load %arg11[%swap3A_222] {strides = array<i32>} : memref<512xf32, #tpu.memory_space<vmem>>, vector<16xf32>,
    tpu.vector_store %arg11[%swap3A_222], %add3A_221 {strides = array<i32>} : memref<512xf32, #tpu.memory_space<vmem>>, vector<16xf32>,
    %dma_wait3A_224 = arith.constant 128 : i32
    %dma_wait3A_225 = tpu.memref_slice %arg9[%dma_wait3A_224] : memref<512xf32, #tpu.memory_space<vmem>> -> memref<128xf32, #tpu.memory_space<vmem>>
    %dma_wait3A_226 = arith.constant 128 : i32
    %dma_wait3A_227 = tpu.memref_slice %arg7[%dma_wait3A_226] : memref<512xi32, #tpu.memory_space<vmem>> -> memref<128xi32, #tpu.memory_space<vmem>>
    %dma_wait3A_228 = arith.constant 0 : i32
    %dma_wait3A_229 = tpu.memref_slice %arg4[%dma_wait3A_228] : memref<1000000xf32, #tpu.memory_space<hbm>> -> memref<1000000xf32, #tpu.memory_space<hbm>>
    tpu.wait_indirect_dma semaphore(%arg12 : memref<!tpu.dma_semaphore, #tpu.memory_space<semaphore_mem>>) src(%dma_wait3A_229 : memref<1000000xf32, #tpu.memory_space<hbm>>) dst(%dma_wait3A_225 : memref<128xf32, #tpu.memory_space<vmem>>)
    %dma_wait3A_230 = arith.constant 128 : i32
    %dma_wait3A_231 = tpu.memref_slice %arg10[%dma_wait3A_230] : memref<512xf32, #tpu.memory_space<vmem>> -> memref<128xf32, #tpu.memory_space<vmem>>
    %dma_wait3A_232 = arith.constant 128 : i32
    %dma_wait3A_233 = tpu.memref_slice %arg8[%dma_wait3A_232] : memref<512xi32, #tpu.memory_space<vmem>> -> memref<128xi32, #tpu.memory_space<vmem>>
    %dma_wait3A_234 = arith.constant 0 : i32
    %dma_wait3A_235 = tpu.memref_slice %arg5[%dma_wait3A_234] : memref<100000xf32, #tpu.memory_space<hbm>> -> memref<100000xf32, #tpu.memory_space<hbm>>
    tpu.wait_indirect_dma semaphore(%arg13 : memref<!tpu.dma_semaphore, #tpu.memory_space<semaphore_mem>>) src(%dma_wait3A_235 : memref<100000xf32, #tpu.memory_space<hbm>>) dst(%dma_wait3A_231 : memref<128xf32, #tpu.memory_space<vmem>>)
    %get3A_236 = arith.constant 128 : index
    %get3A_237 = tpu.vector_load %arg9[%get3A_236] {strides = array<i32>} : memref<512xf32, #tpu.memory_space<vmem>>, vector<16xf32>,
    %get3A_238 = arith.constant 128 : index
    %get3A_239 = tpu.vector_load %arg10[%get3A_238] {strides = array<i32>} : memref<512xf32, #tpu.memory_space<vmem>>, vector<16xf32>,
    %add3A_240 = arith.addf %get3A_237, %get3A_239 : vector<16xf32>
    %neg3A_241 = arith.constant 0.000000e+00 : f32
    %neg3A_242 = vector.broadcast %neg3A_241 : f32 to vector<16xf32>
    %neg3A_243 = arith.subf %neg3A_242, %add3A_240 : vector<16xf32>
    %exp3A_244 = math.exp %neg3A_243 : vector<16xf32>
    %add3A_245 = arith.constant 1.000000e+00 : f32
    %add3A_246 = vector.broadcast %add3A_245 : f32 to vector<16xf32>
    %add3A_247 = arith.addf %add3A_246, %exp3A_244 : vector<16xf32>
    %div3A_248 = arith.constant 4.500000e+00 : f32
    %div3A_249 = vector.broadcast %div3A_248 : f32 to vector<16xf32>
    %div3A_250 = arith.divf %div3A_249, %add3A_247 : vector<16xf32>
    %add3A_251 = arith.constant 5.000000e-01 : f32
    %add3A_252 = vector.broadcast %add3A_251 : f32 to vector<16xf32>
    %add3A_253 = arith.addf %div3A_250, %add3A_252 : vector<16xf32>
    %swap3A_254 = arith.constant 128 : index
    %swap3A_255 = tpu.vector_load %arg11[%swap3A_254] {strides = array<i32>} : memref<512xf32, #tpu.memory_space<vmem>>, vector<16xf32>,
    tpu.vector_store %arg11[%swap3A_254], %add3A_253 {strides = array<i32>} : memref<512xf32, #tpu.memory_space<vmem>>, vector<16xf32>,
    %get3A_256 = arith.constant 144 : index
    %get3A_257 = tpu.vector_load %arg9[%get3A_256] {strides = array<i32>} : memref<512xf32, #tpu.memory_space<vmem>>, vector<16xf32>,
    %get3A_258 = arith.constant 144 : index
    %get3A_259 = tpu.vector_load %arg10[%get3A_258] {strides = array<i32>} : memref<512xf32, #tpu.memory_space<vmem>>, vector<16xf32>,
    %add3A_260 = arith.addf %get3A_257, %get3A_259 : vector<16xf32>
    %neg3A_261 = arith.constant 0.000000e+00 : f32
    %neg3A_262 = vector.broadcast %neg3A_261 : f32 to vector<16xf32>
    %neg3A_263 = arith.subf %neg3A_262, %add3A_260 : vector<16xf32>
    %exp3A_264 = math.exp %neg3A_263 : vector<16xf32>
    %add3A_265 = arith.constant 1.000000e+00 : f32
    %add3A_266 = vector.broadcast %add3A_265 : f32 to vector<16xf32>
    %add3A_267 = arith.addf %add3A_266, %exp3A_264 : vector<16xf32>
    %div3A_268 = arith.constant 4.500000e+00 : f32
    %div3A_269 = vector.broadcast %div3A_268 : f32 to vector<16xf32>
    %div3A_270 = arith.divf %div3A_269, %add3A_267 : vector<16xf32>
    %add3A_271 = arith.constant 5.000000e-01 : f32
    %add3A_272 = vector.broadcast %add3A_271 : f32 to vector<16xf32>
    %add3A_273 = arith.addf %div3A_270, %add3A_272 : vector<16xf32>
    %swap3A_274 = arith.constant 144 : index
    %swap3A_275 = tpu.vector_load %arg11[%swap3A_274] {strides = array<i32>} : memref<512xf32, #tpu.memory_space<vmem>>, vector<16xf32>,
    tpu.vector_store %arg11[%swap3A_274], %add3A_273 {strides = array<i32>} : memref<512xf32, #tpu.memory_space<vmem>>, vector<16xf32>,
    %get3A_276 = arith.constant 160 : index
    %get3A_277 = tpu.vector_load %arg9[%get3A_276] {strides = array<i32>} : memref<512xf32, #tpu.memory_space<vmem>>, vector<16xf32>,
    %get3A_278 = arith.constant 160 : index
    %get3A_279 = tpu.vector_load %arg10[%get3A_278] {strides = array<i32>} : memref<512xf32, #tpu.memory_space<vmem>>, vector<16xf32>,
    %add3A_280 = arith.addf %get3A_277, %get3A_279 : vector<16xf32>
    %neg3A_281 = arith.constant 0.000000e+00 : f32
    %neg3A_282 = vector.broadcast %neg3A_281 : f32 to vector<16xf32>
    %neg3A_283 = arith.subf %neg3A_282, %add3A_280 : vector<16xf32>
    %exp3A_284 = math.exp %neg3A_283 : vector<16xf32>
    %add3A_285 = arith.constant 1.000000e+00 : f32
    %add3A_286 = vector.broadcast %add3A_285 : f32 to vector<16xf32>
    %add3A_287 = arith.addf %add3A_286, %exp3A_284 : vector<16xf32>
    %div3A_288 = arith.constant 4.500000e+00 : f32
    %div3A_289 = vector.broadcast %div3A_288 : f32 to vector<16xf32>
    %div3A_290 = arith.divf %div3A_289, %add3A_287 : vector<16xf32>
    %add3A_291 = arith.constant 5.000000e-01 : f32
    %add3A_292 = vector.broadcast %add3A_291 : f32 to vector<16xf32>
    %add3A_293 = arith.addf %div3A_290, %add3A_292 : vector<16xf32>
    %swap3A_294 = arith.constant 160 : index
    %swap3A_295 = tpu.vector_load %arg11[%swap3A_294] {strides = array<i32>} : memref<512xf32, #tpu.memory_space<vmem>>, vector<16xf32>,
    tpu.vector_store %arg11[%swap3A_294], %add3A_293 {strides = array<i32>} : memref<512xf32, #tpu.memory_space<vmem>>, vector<16xf32>,
    %get3A_296 = arith.constant 176 : index
    %get3A_297 = tpu.vector_load %arg9[%get3A_296] {strides = array<i32>} : memref<512xf32, #tpu.memory_space<vmem>>, vector<16xf32>,
    %get3A_298 = arith.constant 176 : index
    %get3A_299 = tpu.vector_load %arg10[%get3A_298] {strides = array<i32>} : memref<512xf32, #tpu.memory_space<vmem>>, vector<16xf32>,
    %add3A_300 = arith.addf %get3A_297, %get3A_299 : vector<16xf32>
    %neg3A_301 = arith.constant 0.000000e+00 : f32
    %neg3A_302 = vector.broadcast %neg3A_301 : f32 to vector<16xf32>
    %neg3A_303 = arith.subf %neg3A_302, %add3A_300 : vector<16xf32>
    %exp3A_304 = math.exp %neg3A_303 : vector<16xf32>
    %add3A_305 = arith.constant 1.000000e+00 : f32
    %add3A_306 = vector.broadcast %add3A_305 : f32 to vector<16xf32>
    %add3A_307 = arith.addf %add3A_306, %exp3A_304 : vector<16xf32>
    %div3A_308 = arith.constant 4.500000e+00 : f32
    %div3A_309 = vector.broadcast %div3A_308 : f32 to vector<16xf32>
    %div3A_310 = arith.divf %div3A_309, %add3A_307 : vector<16xf32>
    %add3A_311 = arith.constant 5.000000e-01 : f32
    %add3A_312 = vector.broadcast %add3A_311 : f32 to vector<16xf32>
    %add3A_313 = arith.addf %div3A_310, %add3A_312 : vector<16xf32>
    %swap3A_314 = arith.constant 176 : index
    %swap3A_315 = tpu.vector_load %arg11[%swap3A_314] {strides = array<i32>} : memref<512xf32, #tpu.memory_space<vmem>>, vector<16xf32>,
    tpu.vector_store %arg11[%swap3A_314], %add3A_313 {strides = array<i32>} : memref<512xf32, #tpu.memory_space<vmem>>, vector<16xf32>,
    %get3A_316 = arith.constant 192 : index
    %get3A_317 = tpu.vector_load %arg9[%get3A_316] {strides = array<i32>} : memref<512xf32, #tpu.memory_space<vmem>>, vector<16xf32>,
    %get3A_318 = arith.constant 192 : index
    %get3A_319 = tpu.vector_load %arg10[%get3A_318] {strides = array<i32>} : memref<512xf32, #tpu.memory_space<vmem>>, vector<16xf32>,
    %add3A_320 = arith.addf %get3A_317, %get3A_319 : vector<16xf32>
    %neg3A_321 = arith.constant 0.000000e+00 : f32
    %neg3A_322 = vector.broadcast %neg3A_321 : f32 to vector<16xf32>
    %neg3A_323 = arith.subf %neg3A_322, %add3A_320 : vector<16xf32>
    %exp3A_324 = math.exp %neg3A_323 : vector<16xf32>
    %add3A_325 = arith.constant 1.000000e+00 : f32
    %add3A_326 = vector.broadcast %add3A_325 : f32 to vector<16xf32>
    %add3A_327 = arith.addf %add3A_326, %exp3A_324 : vector<16xf32>
    %div3A_328 = arith.constant 4.500000e+00 : f32
    %div3A_329 = vector.broadcast %div3A_328 : f32 to vector<16xf32>
    %div3A_330 = arith.divf %div3A_329, %add3A_327 : vector<16xf32>
    %add3A_331 = arith.constant 5.000000e-01 : f32
    %add3A_332 = vector.broadcast %add3A_331 : f32 to vector<16xf32>
    %add3A_333 = arith.addf %div3A_330, %add3A_332 : vector<16xf32>
    %swap3A_334 = arith.constant 192 : index
    %swap3A_335 = tpu.vector_load %arg11[%swap3A_334] {strides = array<i32>} : memref<512xf32, #tpu.memory_space<vmem>>, vector<16xf32>,
    tpu.vector_store %arg11[%swap3A_334], %add3A_333 {strides = array<i32>} : memref<512xf32, #tpu.memory_space<vmem>>, vector<16xf32>,
    %get3A_336 = arith.constant 208 : index
    %get3A_337 = tpu.vector_load %arg9[%get3A_336] {strides = array<i32>} : memref<512xf32, #tpu.memory_space<vmem>>, vector<16xf32>,
    %get3A_338 = arith.constant 208 : index
    %get3A_339 = tpu.vector_load %arg10[%get3A_338] {strides = array<i32>} : memref<512xf32, #tpu.memory_space<vmem>>, vector<16xf32>,
    %add3A_340 = arith.addf %get3A_337, %get3A_339 : vector<16xf32>
    %neg3A_341 = arith.constant 0.000000e+00 : f32
    %neg3A_342 = vector.broadcast %neg3A_341 : f32 to vector<16xf32>
    %neg3A_343 = arith.subf %neg3A_342, %add3A_340 : vector<16xf32>
    %exp3A_344 = math.exp %neg3A_343 : vector<16xf32>
    %add3A_345 = arith.constant 1.000000e+00 : f32
    %add3A_346 = vector.broadcast %add3A_345 : f32 to vector<16xf32>
    %add3A_347 = arith.addf %add3A_346, %exp3A_344 : vector<16xf32>
    %div3A_348 = arith.constant 4.500000e+00 : f32
    %div3A_349 = vector.broadcast %div3A_348 : f32 to vector<16xf32>
    %div3A_350 = arith.divf %div3A_349, %add3A_347 : vector<16xf32>
    %add3A_351 = arith.constant 5.000000e-01 : f32
    %add3A_352 = vector.broadcast %add3A_351 : f32 to vector<16xf32>
    %add3A_353 = arith.addf %div3A_350, %add3A_352 : vector<16xf32>
    %swap3A_354 = arith.constant 208 : index
    %swap3A_355 = tpu.vector_load %arg11[%swap3A_354] {strides = array<i32>} : memref<512xf32, #tpu.memory_space<vmem>>, vector<16xf32>,
    tpu.vector_store %arg11[%swap3A_354], %add3A_353 {strides = array<i32>} : memref<512xf32, #tpu.memory_space<vmem>>, vector<16xf32>,
    %get3A_356 = arith.constant 224 : index
    %get3A_357 = tpu.vector_load %arg9[%get3A_356] {strides = array<i32>} : memref<512xf32, #tpu.memory_space<vmem>>, vector<16xf32>,
    %get3A_358 = arith.constant 224 : index
    %get3A_359 = tpu.vector_load %arg10[%get3A_358] {strides = array<i32>} : memref<512xf32, #tpu.memory_space<vmem>>, vector<16xf32>,
    %add3A_360 = arith.addf %get3A_357, %get3A_359 : vector<16xf32>
    %neg3A_361 = arith.constant 0.000000e+00 : f32
    %neg3A_362 = vector.broadcast %neg3A_361 : f32 to vector<16xf32>
    %neg3A_363 = arith.subf %neg3A_362, %add3A_360 : vector<16xf32>
    %exp3A_364 = math.exp %neg3A_363 : vector<16xf32>
    %add3A_365 = arith.constant 1.000000e+00 : f32
    %add3A_366 = vector.broadcast %add3A_365 : f32 to vector<16xf32>
    %add3A_367 = arith.addf %add3A_366, %exp3A_364 : vector<16xf32>
    %div3A_368 = arith.constant 4.500000e+00 : f32
    %div3A_369 = vector.broadcast %div3A_368 : f32 to vector<16xf32>
    %div3A_370 = arith.divf %div3A_369, %add3A_367 : vector<16xf32>
    %add3A_371 = arith.constant 5.000000e-01 : f32
    %add3A_372 = vector.broadcast %add3A_371 : f32 to vector<16xf32>
    %add3A_373 = arith.addf %div3A_370, %add3A_372 : vector<16xf32>
    %swap3A_374 = arith.constant 224 : index
    %swap3A_375 = tpu.vector_load %arg11[%swap3A_374] {strides = array<i32>} : memref<512xf32, #tpu.memory_space<vmem>>, vector<16xf32>,
    tpu.vector_store %arg11[%swap3A_374], %add3A_373 {strides = array<i32>} : memref<512xf32, #tpu.memory_space<vmem>>, vector<16xf32>,
    %get3A_376 = arith.constant 240 : index
    %get3A_377 = tpu.vector_load %arg9[%get3A_376] {strides = array<i32>} : memref<512xf32, #tpu.memory_space<vmem>>, vector<16xf32>,
    %get3A_378 = arith.constant 240 : index
    %get3A_379 = tpu.vector_load %arg10[%get3A_378] {strides = array<i32>} : memref<512xf32, #tpu.memory_space<vmem>>, vector<16xf32>,
    %add3A_380 = arith.addf %get3A_377, %get3A_379 : vector<16xf32>
    %neg3A_381 = arith.constant 0.000000e+00 : f32
    %neg3A_382 = vector.broadcast %neg3A_381 : f32 to vector<16xf32>
    %neg3A_383 = arith.subf %neg3A_382, %add3A_380 : vector<16xf32>
    %exp3A_384 = math.exp %neg3A_383 : vector<16xf32>
    %add3A_385 = arith.constant 1.000000e+00 : f32
    %add3A_386 = vector.broadcast %add3A_385 : f32 to vector<16xf32>
    %add3A_387 = arith.addf %add3A_386, %exp3A_384 : vector<16xf32>
    %div3A_388 = arith.constant 4.500000e+00 : f32
    %div3A_389 = vector.broadcast %div3A_388 : f32 to vector<16xf32>
    %div3A_390 = arith.divf %div3A_389, %add3A_387 : vector<16xf32>
    %add3A_391 = arith.constant 5.000000e-01 : f32
    %add3A_392 = vector.broadcast %add3A_391 : f32 to vector<16xf32>
    %add3A_393 = arith.addf %div3A_390, %add3A_392 : vector<16xf32>
    %swap3A_394 = arith.constant 240 : index
    %swap3A_395 = tpu.vector_load %arg11[%swap3A_394] {strides = array<i32>} : memref<512xf32, #tpu.memory_space<vmem>>, vector<16xf32>,
    tpu.vector_store %arg11[%swap3A_394], %add3A_393 {strides = array<i32>} : memref<512xf32, #tpu.memory_space<vmem>>, vector<16xf32>,
    %dma_wait3A_396 = arith.constant 256 : i32
    %dma_wait3A_397 = tpu.memref_slice %arg9[%dma_wait3A_396] : memref<512xf32, #tpu.memory_space<vmem>> -> memref<128xf32, #tpu.memory_space<vmem>>
    %dma_wait3A_398 = arith.constant 256 : i32
    %dma_wait3A_399 = tpu.memref_slice %arg7[%dma_wait3A_398] : memref<512xi32, #tpu.memory_space<vmem>> -> memref<128xi32, #tpu.memory_space<vmem>>
    %dma_wait3A_400 = arith.constant 0 : i32
    %dma_wait3A_401 = tpu.memref_slice %arg4[%dma_wait3A_400] : memref<1000000xf32, #tpu.memory_space<hbm>> -> memref<1000000xf32, #tpu.memory_space<hbm>>
    tpu.wait_indirect_dma semaphore(%arg12 : memref<!tpu.dma_semaphore, #tpu.memory_space<semaphore_mem>>) src(%dma_wait3A_401 : memref<1000000xf32, #tpu.memory_space<hbm>>) dst(%dma_wait3A_397 : memref<128xf32, #tpu.memory_space<vmem>>)
    %dma_wait3A_402 = arith.constant 256 : i32
    %dma_wait3A_403 = tpu.memref_slice %arg10[%dma_wait3A_402] : memref<512xf32, #tpu.memory_space<vmem>> -> memref<128xf32, #tpu.memory_space<vmem>>
    %dma_wait3A_404 = arith.constant 256 : i32
    %dma_wait3A_405 = tpu.memref_slice %arg8[%dma_wait3A_404] : memref<512xi32, #tpu.memory_space<vmem>> -> memref<128xi32, #tpu.memory_space<vmem>>
    %dma_wait3A_406 = arith.constant 0 : i32
    %dma_wait3A_407 = tpu.memref_slice %arg5[%dma_wait3A_406] : memref<100000xf32, #tpu.memory_space<hbm>> -> memref<100000xf32, #tpu.memory_space<hbm>>
    tpu.wait_indirect_dma semaphore(%arg13 : memref<!tpu.dma_semaphore, #tpu.memory_space<semaphore_mem>>) src(%dma_wait3A_407 : memref<100000xf32, #tpu.memory_space<hbm>>) dst(%dma_wait3A_403 : memref<128xf32, #tpu.memory_space<vmem>>)
    %get3A_408 = arith.constant 256 : index
    %get3A_409 = tpu.vector_load %arg9[%get3A_408] {strides = array<i32>} : memref<512xf32, #tpu.memory_space<vmem>>, vector<16xf32>,
    %get3A_410 = arith.constant 256 : index
    %get3A_411 = tpu.vector_load %arg10[%get3A_410] {strides = array<i32>} : memref<512xf32, #tpu.memory_space<vmem>>, vector<16xf32>,
    %add3A_412 = arith.addf %get3A_409, %get3A_411 : vector<16xf32>
    %neg3A_413 = arith.constant 0.000000e+00 : f32
    %neg3A_414 = vector.broadcast %neg3A_413 : f32 to vector<16xf32>
    %neg3A_415 = arith.subf %neg3A_414, %add3A_412 : vector<16xf32>
    %exp3A_416 = math.exp %neg3A_415 : vector<16xf32>
    %add3A_417 = arith.constant 1.000000e+00 : f32
    %add3A_418 = vector.broadcast %add3A_417 : f32 to vector<16xf32>
    %add3A_419 = arith.addf %add3A_418, %exp3A_416 : vector<16xf32>
    %div3A_420 = arith.constant 4.500000e+00 : f32
    %div3A_421 = vector.broadcast %div3A_420 : f32 to vector<16xf32>
    %div3A_422 = arith.divf %div3A_421, %add3A_419 : vector<16xf32>
    %add3A_423 = arith.constant 5.000000e-01 : f32
    %add3A_424 = vector.broadcast %add3A_423 : f32 to vector<16xf32>
    %add3A_425 = arith.addf %div3A_422, %add3A_424 : vector<16xf32>
    %swap3A_426 = arith.constant 256 : index
    %swap3A_427 = tpu.vector_load %arg11[%swap3A_426] {strides = array<i32>} : memref<512xf32, #tpu.memory_space<vmem>>, vector<16xf32>,
    tpu.vector_store %arg11[%swap3A_426], %add3A_425 {strides = array<i32>} : memref<512xf32, #tpu.memory_space<vmem>>, vector<16xf32>,
    %get3A_428 = arith.constant 272 : index
    %get3A_429 = tpu.vector_load %arg9[%get3A_428] {strides = array<i32>} : memref<512xf32, #tpu.memory_space<vmem>>, vector<16xf32>,
    %get3A_430 = arith.constant 272 : index
    %get3A_431 = tpu.vector_load %arg10[%get3A_430] {strides = array<i32>} : memref<512xf32, #tpu.memory_space<vmem>>, vector<16xf32>,
    %add3A_432 = arith.addf %get3A_429, %get3A_431 : vector<16xf32>
    %neg3A_433 = arith.constant 0.000000e+00 : f32
    %neg3A_434 = vector.broadcast %neg3A_433 : f32 to vector<16xf32>
    %neg3A_435 = arith.subf %neg3A_434, %add3A_432 : vector<16xf32>
    %exp3A_436 = math.exp %neg3A_435 : vector<16xf32>
    %add3A_437 = arith.constant 1.000000e+00 : f32
    %add3A_438 = vector.broadcast %add3A_437 : f32 to vector<16xf32>
    %add3A_439 = arith.addf %add3A_438, %exp3A_436 : vector<16xf32>
    %div3A_440 = arith.constant 4.500000e+00 : f32
    %div3A_441 = vector.broadcast %div3A_440 : f32 to vector<16xf32>
    %div3A_442 = arith.divf %div3A_441, %add3A_439 : vector<16xf32>
    %add3A_443 = arith.constant 5.000000e-01 : f32
    %add3A_444 = vector.broadcast %add3A_443 : f32 to vector<16xf32>
    %add3A_445 = arith.addf %div3A_442, %add3A_444 : vector<16xf32>
    %swap3A_446 = arith.constant 272 : index
    %swap3A_447 = tpu.vector_load %arg11[%swap3A_446] {strides = array<i32>} : memref<512xf32, #tpu.memory_space<vmem>>, vector<16xf32>,
    tpu.vector_store %arg11[%swap3A_446], %add3A_445 {strides = array<i32>} : memref<512xf32, #tpu.memory_space<vmem>>, vector<16xf32>,
    %get3A_448 = arith.constant 288 : index
    %get3A_449 = tpu.vector_load %arg9[%get3A_448] {strides = array<i32>} : memref<512xf32, #tpu.memory_space<vmem>>, vector<16xf32>,
    %get3A_450 = arith.constant 288 : index
    %get3A_451 = tpu.vector_load %arg10[%get3A_450] {strides = array<i32>} : memref<512xf32, #tpu.memory_space<vmem>>, vector<16xf32>,
    %add3A_452 = arith.addf %get3A_449, %get3A_451 : vector<16xf32>
    %neg3A_453 = arith.constant 0.000000e+00 : f32
    %neg3A_454 = vector.broadcast %neg3A_453 : f32 to vector<16xf32>
    %neg3A_455 = arith.subf %neg3A_454, %add3A_452 : vector<16xf32>
    %exp3A_456 = math.exp %neg3A_455 : vector<16xf32>
    %add3A_457 = arith.constant 1.000000e+00 : f32
    %add3A_458 = vector.broadcast %add3A_457 : f32 to vector<16xf32>
    %add3A_459 = arith.addf %add3A_458, %exp3A_456 : vector<16xf32>
    %div3A_460 = arith.constant 4.500000e+00 : f32
    %div3A_461 = vector.broadcast %div3A_460 : f32 to vector<16xf32>
    %div3A_462 = arith.divf %div3A_461, %add3A_459 : vector<16xf32>
    %add3A_463 = arith.constant 5.000000e-01 : f32
    %add3A_464 = vector.broadcast %add3A_463 : f32 to vector<16xf32>
    %add3A_465 = arith.addf %div3A_462, %add3A_464 : vector<16xf32>
    %swap3A_466 = arith.constant 288 : index
    %swap3A_467 = tpu.vector_load %arg11[%swap3A_466] {strides = array<i32>} : memref<512xf32, #tpu.memory_space<vmem>>, vector<16xf32>,
    tpu.vector_store %arg11[%swap3A_466], %add3A_465 {strides = array<i32>} : memref<512xf32, #tpu.memory_space<vmem>>, vector<16xf32>,
    %get3A_468 = arith.constant 304 : index
    %get3A_469 = tpu.vector_load %arg9[%get3A_468] {strides = array<i32>} : memref<512xf32, #tpu.memory_space<vmem>>, vector<16xf32>,
    %get3A_470 = arith.constant 304 : index
    %get3A_471 = tpu.vector_load %arg10[%get3A_470] {strides = array<i32>} : memref<512xf32, #tpu.memory_space<vmem>>, vector<16xf32>,
    %add3A_472 = arith.addf %get3A_469, %get3A_471 : vector<16xf32>
    %neg3A_473 = arith.constant 0.000000e+00 : f32
    %neg3A_474 = vector.broadcast %neg3A_473 : f32 to vector<16xf32>
    %neg3A_475 = arith.subf %neg3A_474, %add3A_472 : vector<16xf32>
    %exp3A_476 = math.exp %neg3A_475 : vector<16xf32>
    %add3A_477 = arith.constant 1.000000e+00 : f32
    %add3A_478 = vector.broadcast %add3A_477 : f32 to vector<16xf32>
    %add3A_479 = arith.addf %add3A_478, %exp3A_476 : vector<16xf32>
    %div3A_480 = arith.constant 4.500000e+00 : f32
    %div3A_481 = vector.broadcast %div3A_480 : f32 to vector<16xf32>
    %div3A_482 = arith.divf %div3A_481, %add3A_479 : vector<16xf32>
    %add3A_483 = arith.constant 5.000000e-01 : f32
    %add3A_484 = vector.broadcast %add3A_483 : f32 to vector<16xf32>
    %add3A_485 = arith.addf %div3A_482, %add3A_484 : vector<16xf32>
    %swap3A_486 = arith.constant 304 : index
    %swap3A_487 = tpu.vector_load %arg11[%swap3A_486] {strides = array<i32>} : memref<512xf32, #tpu.memory_space<vmem>>, vector<16xf32>,
    tpu.vector_store %arg11[%swap3A_486], %add3A_485 {strides = array<i32>} : memref<512xf32, #tpu.memory_space<vmem>>, vector<16xf32>,
    %get3A_488 = arith.constant 320 : index
    %get3A_489 = tpu.vector_load %arg9[%get3A_488] {strides = array<i32>} : memref<512xf32, #tpu.memory_space<vmem>>, vector<16xf32>,
    %get3A_490 = arith.constant 320 : index
    %get3A_491 = tpu.vector_load %arg10[%get3A_490] {strides = array<i32>} : memref<512xf32, #tpu.memory_space<vmem>>, vector<16xf32>,
    %add3A_492 = arith.addf %get3A_489, %get3A_491 : vector<16xf32>
    %neg3A_493 = arith.constant 0.000000e+00 : f32
    %neg3A_494 = vector.broadcast %neg3A_493 : f32 to vector<16xf32>
    %neg3A_495 = arith.subf %neg3A_494, %add3A_492 : vector<16xf32>
    %exp3A_496 = math.exp %neg3A_495 : vector<16xf32>
    %add3A_497 = arith.constant 1.000000e+00 : f32
    %add3A_498 = vector.broadcast %add3A_497 : f32 to vector<16xf32>
    %add3A_499 = arith.addf %add3A_498, %exp3A_496 : vector<16xf32>
    %div3A_500 = arith.constant 4.500000e+00 : f32
    %div3A_501 = vector.broadcast %div3A_500 : f32 to vector<16xf32>
    %div3A_502 = arith.divf %div3A_501, %add3A_499 : vector<16xf32>
    %add3A_503 = arith.constant 5.000000e-01 : f32
    %add3A_504 = vector.broadcast %add3A_503 : f32 to vector<16xf32>
    %add3A_505 = arith.addf %div3A_502, %add3A_504 : vector<16xf32>
    %swap3A_506 = arith.constant 320 : index
    %swap3A_507 = tpu.vector_load %arg11[%swap3A_506] {strides = array<i32>} : memref<512xf32, #tpu.memory_space<vmem>>, vector<16xf32>,
    tpu.vector_store %arg11[%swap3A_506], %add3A_505 {strides = array<i32>} : memref<512xf32, #tpu.memory_space<vmem>>, vector<16xf32>,
    %get3A_508 = arith.constant 336 : index
    %get3A_509 = tpu.vector_load %arg9[%get3A_508] {strides = array<i32>} : memref<512xf32, #tpu.memory_space<vmem>>, vector<16xf32>,
    %get3A_510 = arith.constant 336 : index
    %get3A_511 = tpu.vector_load %arg10[%get3A_510] {strides = array<i32>} : memref<512xf32, #tpu.memory_space<vmem>>, vector<16xf32>,
    %add3A_512 = arith.addf %get3A_509, %get3A_511 : vector<16xf32>
    %neg3A_513 = arith.constant 0.000000e+00 : f32
    %neg3A_514 = vector.broadcast %neg3A_513 : f32 to vector<16xf32>
    %neg3A_515 = arith.subf %neg3A_514, %add3A_512 : vector<16xf32>
    %exp3A_516 = math.exp %neg3A_515 : vector<16xf32>
    %add3A_517 = arith.constant 1.000000e+00 : f32
    %add3A_518 = vector.broadcast %add3A_517 : f32 to vector<16xf32>
    %add3A_519 = arith.addf %add3A_518, %exp3A_516 : vector<16xf32>
    %div3A_520 = arith.constant 4.500000e+00 : f32
    %div3A_521 = vector.broadcast %div3A_520 : f32 to vector<16xf32>
    %div3A_522 = arith.divf %div3A_521, %add3A_519 : vector<16xf32>
    %add3A_523 = arith.constant 5.000000e-01 : f32
    %add3A_524 = vector.broadcast %add3A_523 : f32 to vector<16xf32>
    %add3A_525 = arith.addf %div3A_522, %add3A_524 : vector<16xf32>
    %swap3A_526 = arith.constant 336 : index
    %swap3A_527 = tpu.vector_load %arg11[%swap3A_526] {strides = array<i32>} : memref<512xf32, #tpu.memory_space<vmem>>, vector<16xf32>,
    tpu.vector_store %arg11[%swap3A_526], %add3A_525 {strides = array<i32>} : memref<512xf32, #tpu.memory_space<vmem>>, vector<16xf32>,
    %get3A_528 = arith.constant 352 : index
    %get3A_529 = tpu.vector_load %arg9[%get3A_528] {strides = array<i32>} : memref<512xf32, #tpu.memory_space<vmem>>, vector<16xf32>,
    %get3A_530 = arith.constant 352 : index
    %get3A_531 = tpu.vector_load %arg10[%get3A_530] {strides = array<i32>} : memref<512xf32, #tpu.memory_space<vmem>>, vector<16xf32>,
    %add3A_532 = arith.addf %get3A_529, %get3A_531 : vector<16xf32>
    %neg3A_533 = arith.constant 0.000000e+00 : f32
    %neg3A_534 = vector.broadcast %neg3A_533 : f32 to vector<16xf32>
    %neg3A_535 = arith.subf %neg3A_534, %add3A_532 : vector<16xf32>
    %exp3A_536 = math.exp %neg3A_535 : vector<16xf32>
    %add3A_537 = arith.constant 1.000000e+00 : f32
    %add3A_538 = vector.broadcast %add3A_537 : f32 to vector<16xf32>
    %add3A_539 = arith.addf %add3A_538, %exp3A_536 : vector<16xf32>
    %div3A_540 = arith.constant 4.500000e+00 : f32
    %div3A_541 = vector.broadcast %div3A_540 : f32 to vector<16xf32>
    %div3A_542 = arith.divf %div3A_541, %add3A_539 : vector<16xf32>
    %add3A_543 = arith.constant 5.000000e-01 : f32
    %add3A_544 = vector.broadcast %add3A_543 : f32 to vector<16xf32>
    %add3A_545 = arith.addf %div3A_542, %add3A_544 : vector<16xf32>
    %swap3A_546 = arith.constant 352 : index
    %swap3A_547 = tpu.vector_load %arg11[%swap3A_546] {strides = array<i32>} : memref<512xf32, #tpu.memory_space<vmem>>, vector<16xf32>,
    tpu.vector_store %arg11[%swap3A_546], %add3A_545 {strides = array<i32>} : memref<512xf32, #tpu.memory_space<vmem>>, vector<16xf32>,
    %get3A_548 = arith.constant 368 : index
    %get3A_549 = tpu.vector_load %arg9[%get3A_548] {strides = array<i32>} : memref<512xf32, #tpu.memory_space<vmem>>, vector<16xf32>,
    %get3A_550 = arith.constant 368 : index
    %get3A_551 = tpu.vector_load %arg10[%get3A_550] {strides = array<i32>} : memref<512xf32, #tpu.memory_space<vmem>>, vector<16xf32>,
    %add3A_552 = arith.addf %get3A_549, %get3A_551 : vector<16xf32>
    %neg3A_553 = arith.constant 0.000000e+00 : f32
    %neg3A_554 = vector.broadcast %neg3A_553 : f32 to vector<16xf32>
    %neg3A_555 = arith.subf %neg3A_554, %add3A_552 : vector<16xf32>
    %exp3A_556 = math.exp %neg3A_555 : vector<16xf32>
    %add3A_557 = arith.constant 1.000000e+00 : f32
    %add3A_558 = vector.broadcast %add3A_557 : f32 to vector<16xf32>
    %add3A_559 = arith.addf %add3A_558, %exp3A_556 : vector<16xf32>
    %div3A_560 = arith.constant 4.500000e+00 : f32
    %div3A_561 = vector.broadcast %div3A_560 : f32 to vector<16xf32>
    %div3A_562 = arith.divf %div3A_561, %add3A_559 : vector<16xf32>
    %add3A_563 = arith.constant 5.000000e-01 : f32
    %add3A_564 = vector.broadcast %add3A_563 : f32 to vector<16xf32>
    %add3A_565 = arith.addf %div3A_562, %add3A_564 : vector<16xf32>
    %swap3A_566 = arith.constant 368 : index
    %swap3A_567 = tpu.vector_load %arg11[%swap3A_566] {strides = array<i32>} : memref<512xf32, #tpu.memory_space<vmem>>, vector<16xf32>,
    tpu.vector_store %arg11[%swap3A_566], %add3A_565 {strides = array<i32>} : memref<512xf32, #tpu.memory_space<vmem>>, vector<16xf32>,
    %dma_wait3A_568 = arith.constant 384 : i32
    %dma_wait3A_569 = tpu.memref_slice %arg9[%dma_wait3A_568] : memref<512xf32, #tpu.memory_space<vmem>> -> memref<128xf32, #tpu.memory_space<vmem>>
    %dma_wait3A_570 = arith.constant 384 : i32
    %dma_wait3A_571 = tpu.memref_slice %arg7[%dma_wait3A_570] : memref<512xi32, #tpu.memory_space<vmem>> -> memref<128xi32, #tpu.memory_space<vmem>>
    %dma_wait3A_572 = arith.constant 0 : i32
    %dma_wait3A_573 = tpu.memref_slice %arg4[%dma_wait3A_572] : memref<1000000xf32, #tpu.memory_space<hbm>> -> memref<1000000xf32, #tpu.memory_space<hbm>>
    tpu.wait_indirect_dma semaphore(%arg12 : memref<!tpu.dma_semaphore, #tpu.memory_space<semaphore_mem>>) src(%dma_wait3A_573 : memref<1000000xf32, #tpu.memory_space<hbm>>) dst(%dma_wait3A_569 : memref<128xf32, #tpu.memory_space<vmem>>)
    %dma_wait3A_574 = arith.constant 384 : i32
    %dma_wait3A_575 = tpu.memref_slice %arg10[%dma_wait3A_574] : memref<512xf32, #tpu.memory_space<vmem>> -> memref<128xf32, #tpu.memory_space<vmem>>
    %dma_wait3A_576 = arith.constant 384 : i32
    %dma_wait3A_577 = tpu.memref_slice %arg8[%dma_wait3A_576] : memref<512xi32, #tpu.memory_space<vmem>> -> memref<128xi32, #tpu.memory_space<vmem>>
    %dma_wait3A_578 = arith.constant 0 : i32
    %dma_wait3A_579 = tpu.memref_slice %arg5[%dma_wait3A_578] : memref<100000xf32, #tpu.memory_space<hbm>> -> memref<100000xf32, #tpu.memory_space<hbm>>
    tpu.wait_indirect_dma semaphore(%arg13 : memref<!tpu.dma_semaphore, #tpu.memory_space<semaphore_mem>>) src(%dma_wait3A_579 : memref<100000xf32, #tpu.memory_space<hbm>>) dst(%dma_wait3A_575 : memref<128xf32, #tpu.memory_space<vmem>>)
    %get3A_580 = arith.constant 384 : index
    %get3A_581 = tpu.vector_load %arg9[%get3A_580] {strides = array<i32>} : memref<512xf32, #tpu.memory_space<vmem>>, vector<16xf32>,
    %get3A_582 = arith.constant 384 : index
    %get3A_583 = tpu.vector_load %arg10[%get3A_582] {strides = array<i32>} : memref<512xf32, #tpu.memory_space<vmem>>, vector<16xf32>,
    %add3A_584 = arith.addf %get3A_581, %get3A_583 : vector<16xf32>
    %neg3A_585 = arith.constant 0.000000e+00 : f32
    %neg3A_586 = vector.broadcast %neg3A_585 : f32 to vector<16xf32>
    %neg3A_587 = arith.subf %neg3A_586, %add3A_584 : vector<16xf32>
    %exp3A_588 = math.exp %neg3A_587 : vector<16xf32>
    %add3A_589 = arith.constant 1.000000e+00 : f32
    %add3A_590 = vector.broadcast %add3A_589 : f32 to vector<16xf32>
    %add3A_591 = arith.addf %add3A_590, %exp3A_588 : vector<16xf32>
    %div3A_592 = arith.constant 4.500000e+00 : f32
    %div3A_593 = vector.broadcast %div3A_592 : f32 to vector<16xf32>
    %div3A_594 = arith.divf %div3A_593, %add3A_591 : vector<16xf32>
    %add3A_595 = arith.constant 5.000000e-01 : f32
    %add3A_596 = vector.broadcast %add3A_595 : f32 to vector<16xf32>
    %add3A_597 = arith.addf %div3A_594, %add3A_596 : vector<16xf32>
    %swap3A_598 = arith.constant 384 : index
    %swap3A_599 = tpu.vector_load %arg11[%swap3A_598] {strides = array<i32>} : memref<512xf32, #tpu.memory_space<vmem>>, vector<16xf32>,
    tpu.vector_store %arg11[%swap3A_598], %add3A_597 {strides = array<i32>} : memref<512xf32, #tpu.memory_space<vmem>>, vector<16xf32>,
    %get3A_600 = arith.constant 400 : index
    %get3A_601 = tpu.vector_load %arg9[%get3A_600] {strides = array<i32>} : memref<512xf32, #tpu.memory_space<vmem>>, vector<16xf32>,
    %get3A_602 = arith.constant 400 : index
    %get3A_603 = tpu.vector_load %arg10[%get3A_602] {strides = array<i32>} : memref<512xf32, #tpu.memory_space<vmem>>, vector<16xf32>,
    %add3A_604 = arith.addf %get3A_601, %get3A_603 : vector<16xf32>
    %neg3A_605 = arith.constant 0.000000e+00 : f32
    %neg3A_606 = vector.broadcast %neg3A_605 : f32 to vector<16xf32>
    %neg3A_607 = arith.subf %neg3A_606, %add3A_604 : vector<16xf32>
    %exp3A_608 = math.exp %neg3A_607 : vector<16xf32>
    %add3A_609 = arith.constant 1.000000e+00 : f32
    %add3A_610 = vector.broadcast %add3A_609 : f32 to vector<16xf32>
    %add3A_611 = arith.addf %add3A_610, %exp3A_608 : vector<16xf32>
    %div3A_612 = arith.constant 4.500000e+00 : f32
    %div3A_613 = vector.broadcast %div3A_612 : f32 to vector<16xf32>
    %div3A_614 = arith.divf %div3A_613, %add3A_611 : vector<16xf32>
    %add3A_615 = arith.constant 5.000000e-01 : f32
    %add3A_616 = vector.broadcast %add3A_615 : f32 to vector<16xf32>
    %add3A_617 = arith.addf %div3A_614, %add3A_616 : vector<16xf32>
    %swap3A_618 = arith.constant 400 : index
    %swap3A_619 = tpu.vector_load %arg11[%swap3A_618] {strides = array<i32>} : memref<512xf32, #tpu.memory_space<vmem>>, vector<16xf32>,
    tpu.vector_store %arg11[%swap3A_618], %add3A_617 {strides = array<i32>} : memref<512xf32, #tpu.memory_space<vmem>>, vector<16xf32>,
    %get3A_620 = arith.constant 416 : index
    %get3A_621 = tpu.vector_load %arg9[%get3A_620] {strides = array<i32>} : memref<512xf32, #tpu.memory_space<vmem>>, vector<16xf32>,
    %get3A_622 = arith.constant 416 : index
    %get3A_623 = tpu.vector_load %arg10[%get3A_622] {strides = array<i32>} : memref<512xf32, #tpu.memory_space<vmem>>, vector<16xf32>,
    %add3A_624 = arith.addf %get3A_621, %get3A_623 : vector<16xf32>
    %neg3A_625 = arith.constant 0.000000e+00 : f32
    %neg3A_626 = vector.broadcast %neg3A_625 : f32 to vector<16xf32>
    %neg3A_627 = arith.subf %neg3A_626, %add3A_624 : vector<16xf32>
    %exp3A_628 = math.exp %neg3A_627 : vector<16xf32>
    %add3A_629 = arith.constant 1.000000e+00 : f32
    %add3A_630 = vector.broadcast %add3A_629 : f32 to vector<16xf32>
    %add3A_631 = arith.addf %add3A_630, %exp3A_628 : vector<16xf32>
    %div3A_632 = arith.constant 4.500000e+00 : f32
    %div3A_633 = vector.broadcast %div3A_632 : f32 to vector<16xf32>
    %div3A_634 = arith.divf %div3A_633, %add3A_631 : vector<16xf32>
    %add3A_635 = arith.constant 5.000000e-01 : f32
    %add3A_636 = vector.broadcast %add3A_635 : f32 to vector<16xf32>
    %add3A_637 = arith.addf %div3A_634, %add3A_636 : vector<16xf32>
    %swap3A_638 = arith.constant 416 : index
    %swap3A_639 = tpu.vector_load %arg11[%swap3A_638] {strides = array<i32>} : memref<512xf32, #tpu.memory_space<vmem>>, vector<16xf32>,
    tpu.vector_store %arg11[%swap3A_638], %add3A_637 {strides = array<i32>} : memref<512xf32, #tpu.memory_space<vmem>>, vector<16xf32>,
    %get3A_640 = arith.constant 432 : index
    %get3A_641 = tpu.vector_load %arg9[%get3A_640] {strides = array<i32>} : memref<512xf32, #tpu.memory_space<vmem>>, vector<16xf32>,
    %get3A_642 = arith.constant 432 : index
    %get3A_643 = tpu.vector_load %arg10[%get3A_642] {strides = array<i32>} : memref<512xf32, #tpu.memory_space<vmem>>, vector<16xf32>,
    %add3A_644 = arith.addf %get3A_641, %get3A_643 : vector<16xf32>
    %neg3A_645 = arith.constant 0.000000e+00 : f32
    %neg3A_646 = vector.broadcast %neg3A_645 : f32 to vector<16xf32>
    %neg3A_647 = arith.subf %neg3A_646, %add3A_644 : vector<16xf32>
    %exp3A_648 = math.exp %neg3A_647 : vector<16xf32>
    %add3A_649 = arith.constant 1.000000e+00 : f32
    %add3A_650 = vector.broadcast %add3A_649 : f32 to vector<16xf32>
    %add3A_651 = arith.addf %add3A_650, %exp3A_648 : vector<16xf32>
    %div3A_652 = arith.constant 4.500000e+00 : f32
    %div3A_653 = vector.broadcast %div3A_652 : f32 to vector<16xf32>
    %div3A_654 = arith.divf %div3A_653, %add3A_651 : vector<16xf32>
    %add3A_655 = arith.constant 5.000000e-01 : f32
    %add3A_656 = vector.broadcast %add3A_655 : f32 to vector<16xf32>
    %add3A_657 = arith.addf %div3A_654, %add3A_656 : vector<16xf32>
    %swap3A_658 = arith.constant 432 : index
    %swap3A_659 = tpu.vector_load %arg11[%swap3A_658] {strides = array<i32>} : memref<512xf32, #tpu.memory_space<vmem>>, vector<16xf32>,
    tpu.vector_store %arg11[%swap3A_658], %add3A_657 {strides = array<i32>} : memref<512xf32, #tpu.memory_space<vmem>>, vector<16xf32>,
    %get3A_660 = arith.constant 448 : index
    %get3A_661 = tpu.vector_load %arg9[%get3A_660] {strides = array<i32>} : memref<512xf32, #tpu.memory_space<vmem>>, vector<16xf32>,
    %get3A_662 = arith.constant 448 : index
    %get3A_663 = tpu.vector_load %arg10[%get3A_662] {strides = array<i32>} : memref<512xf32, #tpu.memory_space<vmem>>, vector<16xf32>,
    %add3A_664 = arith.addf %get3A_661, %get3A_663 : vector<16xf32>
    %neg3A_665 = arith.constant 0.000000e+00 : f32
    %neg3A_666 = vector.broadcast %neg3A_665 : f32 to vector<16xf32>
    %neg3A_667 = arith.subf %neg3A_666, %add3A_664 : vector<16xf32>
    %exp3A_668 = math.exp %neg3A_667 : vector<16xf32>
    %add3A_669 = arith.constant 1.000000e+00 : f32
    %add3A_670 = vector.broadcast %add3A_669 : f32 to vector<16xf32>
    %add3A_671 = arith.addf %add3A_670, %exp3A_668 : vector<16xf32>
    %div3A_672 = arith.constant 4.500000e+00 : f32
    %div3A_673 = vector.broadcast %div3A_672 : f32 to vector<16xf32>
    %div3A_674 = arith.divf %div3A_673, %add3A_671 : vector<16xf32>
    %add3A_675 = arith.constant 5.000000e-01 : f32
    %add3A_676 = vector.broadcast %add3A_675 : f32 to vector<16xf32>
    %add3A_677 = arith.addf %div3A_674, %add3A_676 : vector<16xf32>
    %swap3A_678 = arith.constant 448 : index
    %swap3A_679 = tpu.vector_load %arg11[%swap3A_678] {strides = array<i32>} : memref<512xf32, #tpu.memory_space<vmem>>, vector<16xf32>,
    tpu.vector_store %arg11[%swap3A_678], %add3A_677 {strides = array<i32>} : memref<512xf32, #tpu.memory_space<vmem>>, vector<16xf32>,
    %get3A_680 = arith.constant 464 : index
    %get3A_681 = tpu.vector_load %arg9[%get3A_680] {strides = array<i32>} : memref<512xf32, #tpu.memory_space<vmem>>, vector<16xf32>,
    %get3A_682 = arith.constant 464 : index
    %get3A_683 = tpu.vector_load %arg10[%get3A_682] {strides = array<i32>} : memref<512xf32, #tpu.memory_space<vmem>>, vector<16xf32>,
    %add3A_684 = arith.addf %get3A_681, %get3A_683 : vector<16xf32>
    %neg3A_685 = arith.constant 0.000000e+00 : f32
    %neg3A_686 = vector.broadcast %neg3A_685 : f32 to vector<16xf32>
    %neg3A_687 = arith.subf %neg3A_686, %add3A_684 : vector<16xf32>
    %exp3A_688 = math.exp %neg3A_687 : vector<16xf32>
    %add3A_689 = arith.constant 1.000000e+00 : f32
    %add3A_690 = vector.broadcast %add3A_689 : f32 to vector<16xf32>
    %add3A_691 = arith.addf %add3A_690, %exp3A_688 : vector<16xf32>
    %div3A_692 = arith.constant 4.500000e+00 : f32
    %div3A_693 = vector.broadcast %div3A_692 : f32 to vector<16xf32>
    %div3A_694 = arith.divf %div3A_693, %add3A_691 : vector<16xf32>
    %add3A_695 = arith.constant 5.000000e-01 : f32
    %add3A_696 = vector.broadcast %add3A_695 : f32 to vector<16xf32>
    %add3A_697 = arith.addf %div3A_694, %add3A_696 : vector<16xf32>
    %swap3A_698 = arith.constant 464 : index
    %swap3A_699 = tpu.vector_load %arg11[%swap3A_698] {strides = array<i32>} : memref<512xf32, #tpu.memory_space<vmem>>, vector<16xf32>,
    tpu.vector_store %arg11[%swap3A_698], %add3A_697 {strides = array<i32>} : memref<512xf32, #tpu.memory_space<vmem>>, vector<16xf32>,
    %get3A_700 = arith.constant 480 : index
    %get3A_701 = tpu.vector_load %arg9[%get3A_700] {strides = array<i32>} : memref<512xf32, #tpu.memory_space<vmem>>, vector<16xf32>,
    %get3A_702 = arith.constant 480 : index
    %get3A_703 = tpu.vector_load %arg10[%get3A_702] {strides = array<i32>} : memref<512xf32, #tpu.memory_space<vmem>>, vector<16xf32>,
    %add3A_704 = arith.addf %get3A_701, %get3A_703 : vector<16xf32>
    %neg3A_705 = arith.constant 0.000000e+00 : f32
    %neg3A_706 = vector.broadcast %neg3A_705 : f32 to vector<16xf32>
    %neg3A_707 = arith.subf %neg3A_706, %add3A_704 : vector<16xf32>
    %exp3A_708 = math.exp %neg3A_707 : vector<16xf32>
    %add3A_709 = arith.constant 1.000000e+00 : f32
    %add3A_710 = vector.broadcast %add3A_709 : f32 to vector<16xf32>
    %add3A_711 = arith.addf %add3A_710, %exp3A_708 : vector<16xf32>
    %div3A_712 = arith.constant 4.500000e+00 : f32
    %div3A_713 = vector.broadcast %div3A_712 : f32 to vector<16xf32>
    %div3A_714 = arith.divf %div3A_713, %add3A_711 : vector<16xf32>
    %add3A_715 = arith.constant 5.000000e-01 : f32
    %add3A_716 = vector.broadcast %add3A_715 : f32 to vector<16xf32>
    %add3A_717 = arith.addf %div3A_714, %add3A_716 : vector<16xf32>
    %swap3A_718 = arith.constant 480 : index
    %swap3A_719 = tpu.vector_load %arg11[%swap3A_718] {strides = array<i32>} : memref<512xf32, #tpu.memory_space<vmem>>, vector<16xf32>,
    tpu.vector_store %arg11[%swap3A_718], %add3A_717 {strides = array<i32>} : memref<512xf32, #tpu.memory_space<vmem>>, vector<16xf32>,
    %get3A_720 = arith.constant 496 : index
    %get3A_721 = tpu.vector_load %arg9[%get3A_720] {strides = array<i32>} : memref<512xf32, #tpu.memory_space<vmem>>, vector<16xf32>,
    %get3A_722 = arith.constant 496 : index
    %get3A_723 = tpu.vector_load %arg10[%get3A_722] {strides = array<i32>} : memref<512xf32, #tpu.memory_space<vmem>>, vector<16xf32>,
    %add3A_724 = arith.addf %get3A_721, %get3A_723 : vector<16xf32>
    %neg3A_725 = arith.constant 0.000000e+00 : f32
    %neg3A_726 = vector.broadcast %neg3A_725 : f32 to vector<16xf32>
    %neg3A_727 = arith.subf %neg3A_726, %add3A_724 : vector<16xf32>
    %exp3A_728 = math.exp %neg3A_727 : vector<16xf32>
    %add3A_729 = arith.constant 1.000000e+00 : f32
    %add3A_730 = vector.broadcast %add3A_729 : f32 to vector<16xf32>
    %add3A_731 = arith.addf %add3A_730, %exp3A_728 : vector<16xf32>
    %div3A_732 = arith.constant 4.500000e+00 : f32
    %div3A_733 = vector.broadcast %div3A_732 : f32 to vector<16xf32>
    %div3A_734 = arith.divf %div3A_733, %add3A_731 : vector<16xf32>
    %add3A_735 = arith.constant 5.000000e-01 : f32
    %add3A_736 = vector.broadcast %add3A_735 : f32 to vector<16xf32>
    %add3A_737 = arith.addf %div3A_734, %add3A_736 : vector<16xf32>
    %swap3A_738 = arith.constant 496 : index
    %swap3A_739 = tpu.vector_load %arg11[%swap3A_738] {strides = array<i32>} : memref<512xf32, #tpu.memory_space<vmem>>, vector<16xf32>,
    tpu.vector_store %arg11[%swap3A_738], %add3A_737 {strides = array<i32>} : memref<512xf32, #tpu.memory_space<vmem>>, vector<16xf32>,
    "tpu.region"() ({
      %run_scoped3A = tpu.sem_alloc : memref<!tpu.dma_semaphore, #tpu.memory_space<semaphore_mem>>
      %dma_start3A_740 = tpu.memref_slice %arg6[%mul3A_2] : memref<16384xf32, #tpu.memory_space<hbm>> -> memref<512xf32, #tpu.memory_space<hbm>>
      %dma_start3A_741 = tpu.memref_slice %arg6[%mul3A_2] : memref<16384xf32, #tpu.memory_space<hbm>> -> memref<512xf32, #tpu.memory_space<hbm>>
      tpu.enqueue_dma source(%arg11 : memref<512xf32, #tpu.memory_space<vmem>>) target(%dma_start3A_741 : memref<512xf32, #tpu.memory_space<hbm>>) target_semaphore(%run_scoped3A : memref<!tpu.dma_semaphore, #tpu.memory_space<semaphore_mem>>)
      %dma_wait3A_742 = tpu.memref_slice %arg6[%mul3A_2] : memref<16384xf32, #tpu.memory_space<hbm>> -> memref<512xf32, #tpu.memory_space<hbm>>
      %dma_wait3A_743 = tpu.memref_slice %arg6[%mul3A_2] : memref<16384xf32, #tpu.memory_space<hbm>> -> memref<512xf32, #tpu.memory_space<hbm>>
      tpu.wait_dma2 semaphore(%run_scoped3A : memref<!tpu.dma_semaphore, #tpu.memory_space<semaphore_mem>>) src(%arg11 : memref<512xf32, #tpu.memory_space<vmem>>) dst(%dma_wait3A_743 : memref<512xf32, #tpu.memory_space<hbm>>)
      tpu.yield
    }) : () -> ()
    return
  }
}

module attributes {stable_mosaic.version = 14 : i64} {
  func.func @_matvec_body(%arg0: i32, %arg1: memref<16x102400xf32, #tpu.memory_space<vmem>>, %arg2: memref<16x10240xf32, #tpu.memory_space<vmem>>, %arg3: memref<1x32xf32, #tpu.memory_space<vmem>>, %arg4: memref<1x1xf32, #tpu.memory_space<vmem>>, %arg5: memref<102400xf32, #tpu.memory_space<vmem>>, %arg6: memref<10240xf32, #tpu.memory_space<vmem>>) attributes {dimension_semantics = [#tpu.dimension_semantics<parallel>], iteration_bounds = array<i64: 10>, scalar_prefetch = 0 : i64, scratch_operands = 0 : i64, tpu.core_type = #tpu.core_type<tc>, window_params = [{transform_indices = @transform_0, window_bounds = array<i64: 16, 102400>}, {transform_indices = @transform_1, window_bounds = array<i64: 16, 10240>}, {pipeline_mode = #tpu.pipeline_mode<synchronous>, transform_indices = @transform_2, window_bounds = array<i64: 1, 32>}, {pipeline_mode = #tpu.pipeline_mode<synchronous>, transform_indices = @transform_3, window_bounds = array<i64: 1, 1>}, {transform_indices = @transform_4, window_bounds = array<i64: 102400>}, {transform_indices = @transform_5, window_bounds = array<i64: 10240>}]} {
    %get3A = arith.constant 0 : index
    %get3A_0 = arith.constant 0 : index
    %get3A_1 = vector.load %arg3[%get3A, %get3A_0] : memref<1x32xf32, #tpu.memory_space<vmem>>, vector<1x32xf32>
    %slice3A = vector.extract_strided_slice %get3A_1 {offsets = [0, 0], sizes = [1, 16], strides = [1, 1]} : vector<1x32xf32> to vector<1x16xf32>
    %get3A_2 = arith.constant 0 : index
    %get3A_3 = arith.constant 0 : index
    %get3A_4 = vector.load %arg1[%get3A_2, %get3A_3] : memref<16x102400xf32, #tpu.memory_space<vmem>>, vector<16x102400xf32>
    %dot_general3A = arith.constant dense<0.000000e+00> : vector<1x102400xf32>
    %dot_general3A_5 = tpu.matmul %slice3A, %get3A_4, %dot_general3A {dimension_numbers = #tpu.dot_dimension_numbers<[1], [0], [0], [1], [0, 0, 1, 1], [], []>, transpose_lhs_hint = false} : vector<1x16xf32>, vector<16x102400xf32>, vector<1x102400xf32> -> vector<1x102400xf32>
    %slice3A_6 = vector.extract_strided_slice %get3A_1 {offsets = [0, 16], sizes = [1, 16], strides = [1, 1]} : vector<1x32xf32> to vector<1x16xf32>
    %get3A_7 = arith.constant 0 : index
    %get3A_8 = arith.constant 0 : index
    %get3A_9 = vector.load %arg2[%get3A_7, %get3A_8] : memref<16x10240xf32, #tpu.memory_space<vmem>>, vector<16x10240xf32>
    %dot_general3A_10 = arith.constant dense<0.000000e+00> : vector<1x10240xf32>
    %dot_general3A_11 = tpu.matmul %slice3A_6, %get3A_9, %dot_general3A_10 {dimension_numbers = #tpu.dot_dimension_numbers<[1], [0], [0], [1], [0, 0, 1, 1], [], []>, transpose_lhs_hint = false} : vector<1x16xf32>, vector<16x10240xf32>, vector<1x10240xf32> -> vector<1x10240xf32>
    %reshape3A = vector.shape_cast %dot_general3A_5 : vector<1x102400xf32> to vector<102400xf32>
    %get3A_12 = arith.constant 0 : index
    %get3A_13 = arith.constant 0 : index
    %get3A_14 = vector.load %arg4[%get3A_12, %get3A_13] : memref<1x1xf32, #tpu.memory_space<vmem>>, vector<1x1xf32>
    %get3A_15 = vector.extract %get3A_14[0, 0] : f32 from vector<1x1xf32>
    %add3A = vector.broadcast %get3A_15 : f32 to vector<102400xf32>
    %add3A_16 = arith.addf %reshape3A, %add3A : vector<102400xf32>
    %swap3A = arith.constant 0 : index
    %swap3A_17 = vector.load %arg5[%swap3A] : memref<102400xf32, #tpu.memory_space<vmem>>, vector<102400xf32>
    tpu.vector_store %arg5[%swap3A], %add3A_16 {strides = array<i32>} : memref<102400xf32, #tpu.memory_space<vmem>>, vector<102400xf32>,
    %reshape3A_18 = vector.shape_cast %dot_general3A_11 : vector<1x10240xf32> to vector<10240xf32>
    %swap3A_19 = arith.constant 0 : index
    %swap3A_20 = vector.load %arg6[%swap3A_19] : memref<10240xf32, #tpu.memory_space<vmem>>, vector<10240xf32>
    tpu.vector_store %arg6[%swap3A_19], %reshape3A_18 {strides = array<i32>} : memref<10240xf32, #tpu.memory_space<vmem>>, vector<10240xf32>,
    return
  }
  func.func @transform_0(%arg0: i32) -> (i32, i32) {
    %c0_i32 = arith.constant 0 : i32
    %c0_i32_0 = arith.constant 0 : i32
    return %c0_i32, %arg0 : i32, i32
  }
  func.func @transform_1(%arg0: i32) -> (i32, i32) {
    %c0_i32 = arith.constant 0 : i32
    %c0_i32_0 = arith.constant 0 : i32
    return %c0_i32, %arg0 : i32, i32
  }
  func.func @transform_2(%arg0: i32) -> (i32, i32) {
    %c0_i32 = arith.constant 0 : i32
    %c0_i32_0 = arith.constant 0 : i32
    %c0_i32_1 = arith.constant 0 : i32
    return %c0_i32, %c0_i32_0 : i32, i32
  }
  func.func @transform_3(%arg0: i32) -> (i32, i32) {
    %c0_i32 = arith.constant 0 : i32
    %c0_i32_0 = arith.constant 0 : i32
    %c0_i32_1 = arith.constant 0 : i32
    return %c0_i32, %c0_i32_0 : i32, i32
  }
  func.func @transform_4(%arg0: i32) -> i32 {
    %c0_i32 = arith.constant 0 : i32
    return %arg0 : i32
  }
  func.func @transform_5(%arg0: i32) -> i32 {
    %c0_i32 = arith.constant 0 : i32
    return %arg0 : i32
  }
}

</mosaic_0001>

<sc_bundles>
// kernel: kernel.4.cloned.1.call-start
scs
__scs_entry_jumppad:
0x0: {  	(pc) =	sbr.rel $0x88, $3  }
0x1: {  	(tag) =	ssettag $0x0;
	lr =	simm.s32 $0x1  }
0x2: {  	[smem:$0x3F9B] =	sst lr;
	_ =	strace $0xD0000000  }
0x3: {  	_ = 	snop  }
0x4: {  	_ = 	snop  }
0x5: {  	_ = 	snop  }
0x6: {  	_ = 	snop  }
0x7: {  	_ = 	snop  }
__scs_overlays_trampoline_lowered:
0x8: {  	[smem:$0x3FAA] =	sst s0  }
0x9: {  	[smem:$0x3FAB] =	sst s1  }
0xa: {  	[smem:$0x3FAC] =	sst s2  }
0xb: {  	[smem:$0x3FAD] =	sst s3  }
0xc: {  	[smem:$0x3FAE] =	sst s4  }
0xd: {  	[smem:$0x3FAF] =	sst s5  }
0xe: {  	[smem:$0x3FB0] =	sst s6  }
0xf: {  	[smem:$0x3FB1] =	sst s7  }
0x10: {  	[smem:$0x3FB2] =	sst s8  }
0x11: {  	[smem:$0x3FB3] =	sst s9;
	s0 =	simm.s32 @!p0 $0x0  }
0x12: {  	s1 =	sld [smem:$0x3F99];
	s0 =	simm.s32 @p0 $0x1  }
0x13: {  	[smem:$0x3FB4] =	sst s0;
	s0 =	simm.s32 @!p1 $0x0  }
0x14: {  	s2 =	sld [smem:$0x3F98];
	s0 =	simm.s32 @p1 $0x1  }
0x15: {  	[smem:$0x3FB5] =	sst s0;
	s0 =	simm.s32 @!p2 $0x0  }
0x16: {  	s3 =	sld [smem:$0x3FDB];
	s0 =	simm.s32 @p2 $0x1  }
0x17: {  	s4 =	simm.s32 $0x1BF5;
	[smem:$0x3FB7] =	sst s0  }
0x18: {  	s0 =	sld [smem:$0x3F9A];
	_ =	swait.ge [sflag:s4], $0x0  }
0x19: {  	s7 =	sld [smem:$0x3F9B]  }
0x1a: {  	s8 =	sadd.s32 $0xFFFFE003, lr  }
0x1b: {  	s9 =	sadd.s32 $0xFFFFFEF7, lr;
	s5 =	simm.s32 $0xFFFFFFFF;
	p2 =	slt.u32 s8, $0xFFFFF086  }
0x1c: {  	p1 =	slt.u32 s9, $0xF7A;
	s5 =	simm.s32 @!p2 $0x0  }
0x1d: {  	s5 =	simm.s32 @p1 $0x1;
	p0 =	seq.s32 s7, s2  }
0x1e: {  	s7 =	smul.u32 @!p0 $0xF7A, s2;
	p2 =	seq.s32 @!p0 s5, $0x0  }
0x1f: {  	s9 =	smul.u32 $0xF7A, s1;
	s8 =	simm.s32 @!p0 $0x1BF5;
	p2 =	por !p2, p0  }
0x20: {  	[sflag:s8] =	ssyncset.s32 @!p0 $0xFFFFF086;
	s6 =	sadd.s32 @!p0 s3, s7;
	s7 =	simm.s32 @!p0 $0x108  }
0x21: {  	s3 =	sadd.s32 s3, s9;
	s6 =	sadd.s32 @!p0 $0x88, s6;
	s7 =	simm.s32 @p2 $0x1082  }
0x22: {  	[simem:s7], [sflag:s8] =	dma.local @!p0 [hbm:s6], $0xF7A  }
0x23: {  	s9 =	sor.u32 $0xD0000000, s2;
	s6 =	simm.s32 $0x108;
	_ =	swait.ge @!p0 [sflag:s8], $0x0  }
0x24: {  	s3 =	sadd.s32 $0x88, s3;
	s6 =	simm.s32 @!p1 $0x1082;
	[sflag:s4] =	ssyncset.s32 $0xFFFFF086  }
0x25: {  	[simem:s6], [sflag:s4] =	dma.local [hbm:s3], $0xF7A  }
0x26: {  	[smem:$0x3F9B] =	sst s1;
	(tag) =	ssettag s2;
	_ =	strace s9  }
0x27: {  	s1 =	sld [smem:$0x3FAB]  }
0x28: {  	s2 =	sld [smem:$0x3FAC]  }
0x29: {  	s4 =	sld [smem:$0x3FAE]  }
0x2a: {  	p0 =	seq.s32 s5, $0x0;
	s5 =	sld [smem:$0x3FAF]  }
0x2b: {  	s6 =	sld [smem:$0x3FB0]  }
0x2c: {  	s7 =	sld [smem:$0x3FB1]  }
0x2d: {  	s3 =	simm.s32 $0x108;
	s8 =	sld [smem:$0x3FB2]  }
0x2e: {  	s3 =	simm.s32 @!p0 $0x1082;
	s9 =	sld [smem:$0x3FB3]  }
0x2f: {  	lr =	sadd.s32 s0, s3;
	s0 =	sld [smem:$0x3FAA]  }
0x30: {  	s3 =	sld [smem:$0x3FAD]  }
0x31: {  	[smem:$0x3FB6] =	sst s10  }
0x32: {  	s10 =	sld [smem:$0x3FB4];
	_ =	sdelay $0x3  }
0x33: {  	p0 =	seq.s32 s10, $0x1;
	s10 =	sld [smem:$0x3FB6];
	_ =	sdelay $0x3  }
0x34: {  	[smem:$0x3FB6] =	sst s10  }
0x35: {  	s10 =	sld [smem:$0x3FB5];
	_ =	sdelay $0x3  }
0x36: {  	p1 =	seq.s32 s10, $0x1;
	s10 =	sld [smem:$0x3FB6];
	_ =	sdelay $0x3  }
0x37: {  	[smem:$0x3FB6] =	sst s10  }
0x38: {  	s10 =	sld [smem:$0x3FB7]  }
0x39: {  	_ = 	snop;
	(pc) =	sbr.ind lr, $3  }
0x3a: {  	_ = 	snop  }
0x3b: {  	_ = 	snop  }
0x3c: {  	p2 =	seq.s32 s10, $0x1;
	s10 =	sld [smem:$0x3FB6]  }
0x3d: {  	_ =	shalt  }
0x3e: {  	_ =	shalt  }
0x3f: {  	_ =	shalt  }
0x40: {  	_ =	shalt  }
0x41: {  	_ =	shalt  }
0x42: {  	_ =	shalt  }
0x43: {  	_ =	shalt  }
0x44: {  	_ =	shalt  }
0x45: {  	_ =	shalt  }
0x46: {  	_ =	shalt  }
0x47: {  	_ =	shalt  }
0x48: {  	_ =	shalt  }
0x49: {  	_ =	shalt  }
0x4a: {  	_ =	shalt  }
0x4b: {  	_ =	shalt  }
0x4c: {  	_ =	shalt  }
0x4d: {  	_ =	shalt  }
0x4e: {  	_ =	shalt  }
0x4f: {  	_ =	shalt  }
0x50: {  	_ =	shalt  }
0x51: {  	_ =	shalt  }
0x52: {  	_ =	shalt  }
0x53: {  	_ =	shalt  }
0x54: {  	_ =	shalt  }
0x55: {  	_ =	shalt  }
0x56: {  	_ =	shalt  }
0x57: {  	_ =	shalt  }
0x58: {  	_ =	shalt  }
0x59: {  	_ =	shalt  }
0x5a: {  	_ =	shalt  }
0x5b: {  	_ =	shalt  }
0x5c: {  	_ =	shalt  }
0x5d: {  	_ =	shalt  }
0x5e: {  	_ =	shalt  }
0x5f: {  	_ =	shalt  }
0x60: {  	_ =	shalt  }
0x61: {  	_ =	shalt  }
0x62: {  	_ =	shalt  }
0x63: {  	_ =	shalt  }
0x64: {  	_ =	shalt  }
0x65: {  	_ =	shalt  }
0x66: {  	_ =	shalt  }
0x67: {  	_ =	shalt  }
0x68: {  	_ =	shalt  }
0x69: {  	_ =	shalt  }
0x6a: {  	_ =	shalt  }
0x6b: {  	_ =	shalt  }
0x6c: {  	_ =	shalt  }
0x6d: {  	_ =	shalt  }
0x6e: {  	_ =	shalt  }
0x6f: {  	_ =	shalt  }
0x70: {  	_ =	shalt  }
0x71: {  	_ =	shalt  }
0x72: {  	_ =	shalt  }
0x73: {  	_ =	shalt  }
0x74: {  	_ =	shalt  }
0x75: {  	_ =	shalt  }
0x76: {  	_ =	shalt  }
0x77: {  	_ =	shalt  }
0x78: {  	_ =	shalt  }
0x79: {  	_ =	shalt  }
0x7a: {  	_ =	shalt  }
0x7b: {  	_ =	shalt  }
0x7c: {  	_ =	shalt  }
0x7d: {  	_ =	shalt  }
0x7e: {  	_ =	shalt  }
0x7f: {  	_ =	shalt  }
0x80: {  	_ =	shalt  }
0x81: {  	_ =	shalt  }
0x82: {  	_ =	shalt  }
0x83: {  	_ =	shalt  }
0x84: {  	_ =	shalt  }
0x85: {  	_ =	shalt  }
0x86: {  	_ =	shalt  }
0x87: {  	_ =	shalt  }
.Lfunc_end0:
.L_simem_size_0:
called_computation_lowered:
.L_overlay_start_0:
0x88: {  	s2 =	sld [smem:$0x3FD9]  }
0x89: {  	s3 =	sld [smem:$0x3FFE];
	_ =	sdelay $0x1  }
0x8a: {  	s1 =	srdreg.scid  }
0x8b: {  	s0 =	sand.u32 $0x1, s1  }
0x8c: {  	s17 =	sshll.u32 s0, $0xA;
	s2 =	sadd.s32 s3, s2  }
0x8d: {  	s2 =	sadd.s32 s2, s17  }
0x8e: {  	[smem:$0x3FC2] =	sst s2  }
0x8f: {  	_ = 	snop  }
0x90: {  	s2 =	sld [smem:$0x3FC9]  }
0x91: {  	s18 =	sld [smem:$0x3FC8]  }
0x92: {  	s4 =	sld [smem:$0x3FD0];
	(tm) =	ssettm $0x1  }
0x93: {  	s5 =	sld [smem:$0x3FFB];
	_ =	sdelay $0x3  }
0x94: {  	_ =	strace s5  }
0x95: {  	s5 =	sld [smem:$0x3FFC];
	_ =	sdelay $0x3  }
0x96: {  	_ =	strace s5  }
0x97: {  	s5 =	sld [smem:$0x3FFD];
	_ =	sdelay $0x3  }
0x98: {  	_ =	strace s5  }
0x99: {  	_ =	strace $0x8FFFFFFF  }
0x9a: {  	s19 =	sld [smem:$0x3FDB];
	_ =	sdelay $0x1  }
0x9b: {  	s6 =	simm.s32 $_scs_section_size  }
0x9c: {  	s7 =	simm.s32 $_size__tile_overlayer_lowered;
	s8 =	simm.s32 $_tile_overlayer_lowered  }
0x9d: {  	s22 =	simm.s32 $0x1BFF;
	s21 =	sshll.u32 s8, $0x1;
	s5 =	sadd.s32 s6, s19  }
0x9e: {  	s9 =	simm.s32 $0x0;
	s20 =	sshll.u32 s7, $0x1;
	s7 =	sadd.s32 s21, s5  }
0x9f: {  	[timem:s9], [sflag:s22] =	dma.local [hbm:s7], s20  }
0xa0: {  	_ =	swait.ge [sflag:s22], s20  }
0xa1: {  	s6 =	ssub.s32 $0x0, s20;
	[sflag:s22] =	ssyncset.done $0x0  }
0xa2: {  	[sflag:s22] =	ssyncadd.s32 s6;
	_ =	sdelay $0x1  }
0xa3: {  	s23 =	simm.s32 $0x1B8B  }
0xa4: {  	_ =	swait.ge [sflag:s23], $0x1  }
0xa5: {  	[sflag:s23] =	ssyncset.done $0x0  }
0xa6: {  	s25 =	simm.s32 $0x1B8E;
	s24 =	sld [smem:$0x3FFE];
	[sflag:s23] =	ssyncadd.s32 $0xFFFFFFFF  }
0xa7: {  	s26 =	simm.s32 $execute0_lowered;
	[smem:$0x3FD2] =	sst s25  }
0xa8: {  	s7 =	sshll.u32 s26, $0x1;
	_ =	strace $0x80000046;
	[dreg:$0x1] =	wrdreg $0xFFFFFFFF  }
0xa9: {  	s28 =	simm.s32 $_size_execute0_lowered;
	s5 =	sadd.s32 s5, s7;
	[dreg:$0x0] =	wrdreg $0x0  }
0xaa: {  	s7 =	sshll.u32 s28, $0x1;
	[dreg:$0x2] =	wrdreg s5  }
0xab: {  	[dreg:$0x3] =	wrdreg s7  }
0xac: {  	[dreg:$0x4] =	wrdreg $0xC0  }
0xad: {  	_ =	task [dreg:s9], $0x5FFFF  }
0xae: {  	[dreg:$0x1] =	wrdreg $0xFFFFFFFF  }
0xaf: {  	[dreg:$0x0] =	wrdreg $0x60  }
0xb0: {  	[dreg:$0x2] =	wrdreg s2  }
0xb1: {  	[dreg:$0x3] =	wrdreg s18  }
0xb2: {  	[dreg:$0x4] =	wrdreg s24  }
0xb3: {  	[dreg:$0x5] =	wrdreg s4  }
0xb4: {  	[dreg:$0x6] =	wrdreg $0x9  }
0xb5: {  	_ =	task.clear_ibuf [dreg:s9], $0x7FFFF;
	_ =	strace $0x90000046  }
0xb6: {  	s29 =	simm.s32 $0x9;
	_ =	strace $0x80000048  }
0xb7: {  	_ =	swait.ge [sflag:s29], $0x1  }
0xb8: {  	[sflag:s29] =	ssyncadd.s32 $0xFFFFFFFF  }
0xb9: {  	_ =	strace $0x90000048  }
0xba: {  	_ =	sfence  }
0xbb: {  	s30 =	sld [smem:$0x0];
	_ =	sdelay $0x2  }
0xbc: {  	s31 =	sshll.u32 s1, $0xD;
	s1 =	sshrl.u32 s1, $0x2  }
0xbd: {  	s3 =	sand.u32 $0x4000, s31;
	s1 =	sadd.s32 s1, s30  }
0xbe: {  	s0 =	sor.u32 s3, s0;
	s1 =	sshll.u32 s1, $0x11  }
0xbf: {  	s0 =	sor.u32 s1, s0  }
0xc0: {  	s0 =	sadd.s32 $0x8F2B, s0  }
0xc1: {  	[sflag:s0] =	ssyncadd.remote.s32 $0x1  }
0xc2: {  	_ =	sfence.sel $0xFFFF  }
0xc3: {  	[dreg:$0x0] =	wrdreg $0xFFFFFFFF;
	(pc) =	sbr.abs _section_cstart, $3  }
0xc4: {  	[dreg:$0x1] =	wrdreg $0xFFFFFFFF  }
0xc5: {  	_ =	task.clear_ibuf [dreg:s9], $0x2FFFF;
	_ =	strace $0x9FFFFFFF  }
0xc6: {  	(tm) =	ssettm $0x7FFFFFFF  }
0xc7: {  	_ =	shalt  }
tec
execute0_lowered:
.L_overlay_start_1:
0x0: {  	(tag) =	ssettag $0x1  }
0x1: {  	s5 =	rddreg [dreg:$0x0]  }
0x2: {  	s6 =	rddreg [dreg:$0x1]  }
0x3: {  	s4 =	rddreg [dreg:$0x2]  }
0x4: {  	s7 =	rddreg [dreg:$0x3]  }
0x5: {  	s0 =	rddreg [dreg:$0x4];
	s1 =	simm.s32 $0x0  }
0x6: {  	s8 =	srdreg.scid;
	s2 =	stileid.u32;
	s12 =	simm.s32 $0x80  }
0x7: {  	s13 =	simm.s32 $0x400;
	s14 =	simm.s32 $0x600;
	s15 =	simm.s32 $0x480  }
0x8: {  	s16 =	simm.s32 $0x280;
	s17 =	simm.s32 $0x680;
	s18 =	simm.s32 $0x100  }
0x9: {  	s19 =	simm.s32 $0x500;
	s20 =	simm.s32 $0x300;
	s21 =	simm.s32 $0x700  }
0xa: {  	s22 =	simm.s32 $0x180;
	s23 =	simm.s32 $0x580;
	s24 =	simm.s32 $0x380  }
0xb: {  	s25 =	simm.s32 $0x780;
	s26 =	simm.s32 $0x800;
	s28 =	simm.s32 $0x3  }
0xc: {  	[smem:$0x7FF] =	sst s1;
	s3 =	sadd.s32 $0xE00, s4;
	s8 =	sand.u32 $0x1, s8  }
0xd: {  	s10 =	sshll.u32 s2, $0x7;
	s4 =	sadd.s32 $0x1F800, s4;
	s9 =	ssub.s32 $0x2, s8  }
0xe: {  	_ =	strace $0x80000047;
	s8 =	sshll.u32 s8, $0x6;
	s11 =	sshrl.u32 s9, $0x1  }
0xf: {  	s8 =	sor.u32 s8, s10;
	s10 =	simm.s32 $0x1;
	s9 =	ssub.s32 s9, s11  }
0x10: {  	s5 =	sadd.s32 s5, s8;
	s6 =	sadd.s32 s6, s8;
	s7 =	sadd.s32 s7, s8  }
0x11: {  	s11 =	simm.s32 $0x2;
	s8 =	smax.u32 s9, $0x1;
	s9 =	simm.s32 $0x200  }
.LBB2_1:
0x12: {  	[tilespmem:s1], [sflag:$0x1] =	stream.linear.gather [hbm4b:s5+s1], $0x200, $0x38;
	[tilespmem:$0xA00] =	vst v63  }
0x13: {  	_ = 	snop  }
0x14: {  	[tilespmem:s9], [sflag:$0x2] =	stream.linear.gather [hbm4b:s6+s1], $0x200, $0x38;
	[tilespmem:$0xA00] =	vst v63  }
0x15: {  	_ =	swait.ge [sflag:s10], $0x200  }
0x16: {  	[sflag:s10] =	ssyncset.done $0x0  }
0x17: {  	[sflag:s10] =	ssyncadd.s32 $0xFFFFFE00  }
0x18: {  	_ =	swait.ge [sflag:s11], $0x200  }
0x19: {  	[sflag:s11] =	ssyncset.done $0x0  }
0x1a: {  	[sflag:s11] =	ssyncadd.s32 $0xFFFFFE00  }
0x1b: {  	[tilespmem:s13], [sflag:$0x1] =	stream.indirect.gather [hbm4b:s3+s12], $0x1, s1, s12, $0xb8;
	[tilespmem:$0xA00] =	vst v63  }
0x1c: {  	_ = 	snop  }
0x1d: {  	[tilespmem:s14], [sflag:$0x2] =	stream.indirect.gather [hbm4b:s4+s12], $0x1, s9, s12, $0xb8;
	[tilespmem:$0xA00] =	vst v63  }
0x1e: {  	_ = 	snop  }
0x1f: {  	[tilespmem:s15], [sflag:$0x1] =	stream.indirect.gather [hbm4b:s3+s12], $0x1, s12, s12, $0xb8;
	[tilespmem:$0xA00] =	vst v63  }
0x20: {  	_ = 	snop  }
0x21: {  	[tilespmem:s17], [sflag:$0x2] =	stream.indirect.gather [hbm4b:s4+s12], $0x1, s16, s12, $0xb8;
	[tilespmem:$0xA00] =	vst v63  }
0x22: {  	_ = 	snop  }
0x23: {  	[tilespmem:s19], [sflag:$0x1] =	stream.indirect.gather [hbm4b:s3+s12], $0x1, s18, s12, $0xb8;
	[tilespmem:$0xA00] =	vst v63  }
0x24: {  	_ = 	snop  }
0x25: {  	[tilespmem:s21], [sflag:$0x2] =	stream.indirect.gather [hbm4b:s4+s12], $0x1, s20, s12, $0xb8;
	[tilespmem:$0xA00] =	vst v63  }
0x26: {  	_ = 	snop  }
0x27: {  	[tilespmem:s23], [sflag:$0x1] =	stream.indirect.gather [hbm4b:s3+s12], $0x1, s22, s12, $0xb8;
	[tilespmem:$0xA00] =	vst v63  }
0x28: {  	_ = 	snop  }
0x29: {  	[tilespmem:s25], [sflag:$0x2] =	stream.indirect.gather [hbm4b:s4+s12], $0x1, s24, s12, $0xb8;
	[tilespmem:$0xA00] =	vst v63  }
0x2a: {  	_ =	swait.ge [sflag:s10], $0x80  }
0x2b: {  	[sflag:s10] =	ssyncset.done $0x0  }
0x2c: {  	[sflag:s10] =	ssyncadd.s32 $0xFFFFFF80  }
0x2d: {  	_ =	swait.ge [sflag:s11], $0x80  }
0x2e: {  	[sflag:s11] =	ssyncset.done $0x0  }
0x2f: {  	[sflag:s11] =	ssyncadd.s32 $0xFFFFFF80  }
0x30: {  	v0 =	vld [tilespmem:$0x400]  }
0x31: {  	v1 =	vld [tilespmem:$0x600];
	_ =	sdelay $0x4  }
0x32: {  	v0 =	vadd.f32 v1, v0;
	_ =	sdelay $0x1  }
0x33: {  	v0 =	vsub.f32 $0.0e+00, v0;
	_ =	sdelay $0x1  }
0x34: {  	v0 =	vmul.f32 $1.442695020e+00, v0;
	_ =	sdelay $0x1  }
0x35: {  	(erf) = vpow2.f32 v0  }
0x36: {  	v32 =	vld [tilespmem:$0x410]  }
0x37: {  	v33 =	vld [tilespmem:$0x610];
	_ =	sdelay $0x4  }
0x38: {  	v0 =	vadd.f32 v33, v32;
	_ =	sdelay $0x1  }
0x39: {  	v0 =	vsub.f32 $0.0e+00, v0;
	v34 =	vpop (erf)  }
0x3a: {  	v1 =	vadd.f32 $1.000000000e+00, v34  }
0x3b: {  	v0 =	vmul.f32 $1.442695020e+00, v0  }
0x3c: {  	(erf) = vrcp.f32 v1  }
0x3d: {  	(erf) = vpow2.f32 v0  }
0x3e: {  	v35 =	vld [tilespmem:$0x420]  }
0x3f: {  	v36 =	vld [tilespmem:$0x620];
	_ =	sdelay $0x4  }
0x40: {  	v0 =	vadd.f32 v36, v35  }
0x41: {  	v37 =	vpop (erf)  }
0x42: {  	v0 =	vsub.f32 $0.0e+00, v0;
	v2 =	vpop (erf)  }
0x43: {  	v2 =	vadd.f32 $1.000000000e+00, v2  }
0x44: {  	v0 =	vmul.f32 $1.442695020e+00, v0  }
0x45: {  	(erf) = vrcp.f32 v2  }
0x46: {  	(erf) = vpow2.f32 v0  }
0x47: {  	v38 =	vld [tilespmem:$0x430]  }
0x48: {  	v39 =	vld [tilespmem:$0x630];
	_ =	sdelay $0x4  }
0x49: {  	v0 =	vadd.f32 v39, v38  }
0x4a: {  	v40 =	vpop (erf)  }
0x4b: {  	v0 =	vsub.f32 $0.0e+00, v0;
	v3 =	vpop (erf)  }
0x4c: {  	v3 =	vadd.f32 $1.000000000e+00, v3  }
0x4d: {  	v0 =	vmul.f32 $1.442695020e+00, v0  }
0x4e: {  	(erf) = vrcp.f32 v3  }
0x4f: {  	(erf) = vpow2.f32 v0  }
0x50: {  	v41 =	vld [tilespmem:$0x440]  }
0x51: {  	v42 =	vld [tilespmem:$0x640];
	_ =	sdelay $0x4  }
0x52: {  	v0 =	vadd.f32 v42, v41  }
0x53: {  	v43 =	vpop (erf)  }
0x54: {  	v0 =	vsub.f32 $0.0e+00, v0;
	v4 =	vpop (erf)  }
0x55: {  	v4 =	vadd.f32 $1.000000000e+00, v4  }
0x56: {  	v0 =	vmul.f32 $1.442695020e+00, v0  }
0x57: {  	(erf) = vrcp.f32 v4  }
0x58: {  	(erf) = vpow2.f32 v0  }
0x59: {  	v44 =	vld [tilespmem:$0x450]  }
0x5a: {  	v45 =	vld [tilespmem:$0x650];
	_ =	sdelay $0x4  }
0x5b: {  	v0 =	vadd.f32 v45, v44  }
0x5c: {  	v46 =	vpop (erf)  }
0x5d: {  	v0 =	vsub.f32 $0.0e+00, v0;
	v5 =	vpop (erf)  }
0x5e: {  	v5 =	vadd.f32 $1.000000000e+00, v5  }
0x5f: {  	v0 =	vmul.f32 $1.442695020e+00, v0  }
0x60: {  	(erf) = vrcp.f32 v5  }
0x61: {  	(erf) = vpow2.f32 v0  }
0x62: {  	v47 =	vld [tilespmem:$0x460]  }
0x63: {  	v48 =	vld [tilespmem:$0x660];
	_ =	sdelay $0x4  }
0x64: {  	v0 =	vadd.f32 v48, v47  }
0x65: {  	v49 =	vpop (erf)  }
0x66: {  	v0 =	vsub.f32 $0.0e+00, v0;
	v6 =	vpop (erf)  }
0x67: {  	v6 =	vadd.f32 $1.000000000e+00, v6  }
0x68: {  	v0 =	vmul.f32 $1.442695020e+00, v0  }
0x69: {  	(erf) = vrcp.f32 v6  }
0x6a: {  	(erf) = vpow2.f32 v0  }
0x6b: {  	v50 =	vld [tilespmem:$0x470]  }
0x6c: {  	v51 =	vld [tilespmem:$0x670];
	_ =	sdelay $0x4  }
0x6d: {  	v0 =	vadd.f32 v51, v50  }
0x6e: {  	v52 =	vpop (erf)  }
0x6f: {  	v0 =	vsub.f32 $0.0e+00, v0;
	v7 =	vpop (erf)  }
0x70: {  	v7 =	vadd.f32 $1.000000000e+00, v7  }
0x71: {  	v0 =	vmul.f32 $1.442695020e+00, v0  }
0x72: {  	(erf) = vrcp.f32 v7  }
0x73: {  	(erf) = vpow2.f32 v0;
	_ =	sdelay $0x7  }
0x74: {  	v53 =	vpop (erf)  }
0x75: {  	v54 =	vpop (erf)  }
0x76: {  	v7 =	vadd.f32 $1.000000000e+00, v54;
	_ =	sdelay $0x1  }
0x77: {  	(erf) = vrcp.f32 v7;
	_ =	sdelay $0x2  }
0x78: {  	v1 =	vmul.f32 $4.500000000e+00, v37  }
0x79: {  	v2 =	vmul.f32 $4.500000000e+00, v40  }
0x7a: {  	v1 =	vadd.f32 $5.000000000e-01, v1;
	v3 =	vmul.f32 $4.500000000e+00, v43  }
0x7b: {  	v2 =	vadd.f32 $5.000000000e-01, v2;
	v4 =	vmul.f32 $4.500000000e+00, v46  }
0x7c: {  	[tilespmem:$0x800] =	vst v1;
	v55 =	vadd.f32 $5.000000000e-01, v3;
	v56 =	vmul.f32 $4.500000000e+00, v49  }
0x7d: {  	[tilespmem:$0x810] =	vst v2;
	v57 =	vadd.f32 $5.000000000e-01, v4;
	v58 =	vmul.f32 $4.500000000e+00, v52  }
0x7e: {  	[tilespmem:$0x820] =	vst v55;
	v59 =	vadd.f32 $5.000000000e-01, v56;
	v0 =	vmul.f32 $4.500000000e+00, v53;
	v60 =	vpop (erf)  }
0x7f: {  	[tilespmem:$0x830] =	vst v57;
	v61 =	vadd.f32 $5.000000000e-01, v58;
	v3 =	vmul.f32 $4.500000000e+00, v60  }
0x80: {  	[tilespmem:$0x840] =	vst v59;
	v0 =	vadd.f32 $5.000000000e-01, v0  }
0x81: {  	[tilespmem:$0x850] =	vst v61;
	v62 =	vadd.f32 $5.000000000e-01, v3  }
0x82: {  	[tilespmem:$0x860] =	vst v0  }
0x83: {  	[tilespmem:$0x870] =	vst v62  }
0x84: {  	_ =	swait.ge [sflag:s10], $0x80  }
0x85: {  	[sflag:s10] =	ssyncset.done $0x0  }
0x86: {  	[sflag:s10] =	ssyncadd.s32 $0xFFFFFF80  }
0x87: {  	_ =	swait.ge [sflag:s11], $0x80  }
0x88: {  	[sflag:s11] =	ssyncset.done $0x0  }
0x89: {  	[sflag:s11] =	ssyncadd.s32 $0xFFFFFF80  }
0x8a: {  	v63 =	vld [tilespmem:$0x480]  }
0x8b: {  	v4 =	vld [tilespmem:$0x680];
	_ =	sdelay $0x4  }
0x8c: {  	v0 =	vadd.f32 v4, v63;
	_ =	sdelay $0x1  }
0x8d: {  	v0 =	vsub.f32 $0.0e+00, v0;
	_ =	sdelay $0x1  }
0x8e: {  	v0 =	vmul.f32 $1.442695020e+00, v0;
	_ =	sdelay $0x1  }
0x8f: {  	(erf) = vpow2.f32 v0  }
0x90: {  	v5 =	vld [tilespmem:$0x490]  }
0x91: {  	v6 =	vld [tilespmem:$0x690];
	_ =	sdelay $0x4  }
0x92: {  	v0 =	vadd.f32 v6, v5;
	_ =	sdelay $0x1  }
0x93: {  	v0 =	vsub.f32 $0.0e+00, v0;
	v7 =	vpop (erf)  }
0x94: {  	v1 =	vadd.f32 $1.000000000e+00, v7  }
0x95: {  	v0 =	vmul.f32 $1.442695020e+00, v0  }
0x96: {  	(erf) = vrcp.f32 v1  }
0x97: {  	(erf) = vpow2.f32 v0  }
0x98: {  	v8 =	vld [tilespmem:$0x4A0]  }
0x99: {  	v9 =	vld [tilespmem:$0x6A0];
	_ =	sdelay $0x4  }
0x9a: {  	v0 =	vadd.f32 v9, v8  }
0x9b: {  	v10 =	vpop (erf)  }
0x9c: {  	v0 =	vsub.f32 $0.0e+00, v0;
	v11 =	vpop (erf)  }
0x9d: {  	v2 =	vadd.f32 $1.000000000e+00, v11  }
0x9e: {  	v0 =	vmul.f32 $1.442695020e+00, v0  }
0x9f: {  	(erf) = vrcp.f32 v2  }
0xa0: {  	(erf) = vpow2.f32 v0  }
0xa1: {  	v12 =	vld [tilespmem:$0x4B0]  }
0xa2: {  	v13 =	vld [tilespmem:$0x6B0];
	_ =	sdelay $0x4  }
0xa3: {  	v0 =	vadd.f32 v13, v12  }
0xa4: {  	v14 =	vpop (erf)  }
0xa5: {  	v0 =	vsub.f32 $0.0e+00, v0;
	v15 =	vpop (erf)  }
0xa6: {  	v3 =	vadd.f32 $1.000000000e+00, v15  }
0xa7: {  	v0 =	vmul.f32 $1.442695020e+00, v0  }
0xa8: {  	(erf) = vrcp.f32 v3  }
0xa9: {  	(erf) = vpow2.f32 v0  }
0xaa: {  	v16 =	vld [tilespmem:$0x4C0]  }
0xab: {  	v17 =	vld [tilespmem:$0x6C0];
	_ =	sdelay $0x4  }
0xac: {  	v0 =	vadd.f32 v17, v16  }
0xad: {  	v18 =	vpop (erf)  }
0xae: {  	v0 =	vsub.f32 $0.0e+00, v0;
	v19 =	vpop (erf)  }
0xaf: {  	v4 =	vadd.f32 $1.000000000e+00, v19  }
0xb0: {  	v0 =	vmul.f32 $1.442695020e+00, v0  }
0xb1: {  	(erf) = vrcp.f32 v4  }
0xb2: {  	(erf) = vpow2.f32 v0  }
0xb3: {  	v20 =	vld [tilespmem:$0x4D0]  }
0xb4: {  	v21 =	vld [tilespmem:$0x6D0];
	_ =	sdelay $0x4  }
0xb5: {  	v0 =	vadd.f32 v21, v20  }
0xb6: {  	v22 =	vpop (erf)  }
0xb7: {  	v0 =	vsub.f32 $0.0e+00, v0;
	v23 =	vpop (erf)  }
0xb8: {  	v5 =	vadd.f32 $1.000000000e+00, v23  }
0xb9: {  	v0 =	vmul.f32 $1.442695020e+00, v0  }
0xba: {  	(erf) = vrcp.f32 v5  }
0xbb: {  	(erf) = vpow2.f32 v0  }
0xbc: {  	v24 =	vld [tilespmem:$0x4E0]  }
0xbd: {  	v25 =	vld [tilespmem:$0x6E0];
	_ =	sdelay $0x4  }
0xbe: {  	v0 =	vadd.f32 v25, v24  }
0xbf: {  	v26 =	vpop (erf)  }
0xc0: {  	v0 =	vsub.f32 $0.0e+00, v0;
	v27 =	vpop (erf)  }
0xc1: {  	v6 =	vadd.f32 $1.000000000e+00, v27  }
0xc2: {  	v0 =	vmul.f32 $1.442695020e+00, v0  }
0xc3: {  	(erf) = vrcp.f32 v6  }
0xc4: {  	(erf) = vpow2.f32 v0  }
0xc5: {  	v28 =	vld [tilespmem:$0x4F0]  }
0xc6: {  	v29 =	vld [tilespmem:$0x6F0];
	_ =	sdelay $0x4  }
0xc7: {  	v0 =	vadd.f32 v29, v28  }
0xc8: {  	v30 =	vpop (erf)  }
0xc9: {  	v0 =	vsub.f32 $0.0e+00, v0;
	v31 =	vpop (erf)  }
0xca: {  	v7 =	vadd.f32 $1.000000000e+00, v31  }
0xcb: {  	v0 =	vmul.f32 $1.442695020e+00, v0  }
0xcc: {  	(erf) = vrcp.f32 v7  }
0xcd: {  	(erf) = vpow2.f32 v0;
	_ =	sdelay $0x7  }
0xce: {  	v32 =	vpop (erf)  }
0xcf: {  	v33 =	vpop (erf)  }
0xd0: {  	v7 =	vadd.f32 $1.000000000e+00, v33;
	_ =	sdelay $0x1  }
0xd1: {  	(erf) = vrcp.f32 v7;
	_ =	sdelay $0x2  }
0xd2: {  	v1 =	vmul.f32 $4.500000000e+00, v10  }
0xd3: {  	v2 =	vmul.f32 $4.500000000e+00, v14  }
0xd4: {  	v1 =	vadd.f32 $5.000000000e-01, v1;
	v3 =	vmul.f32 $4.500000000e+00, v18  }
0xd5: {  	v2 =	vadd.f32 $5.000000000e-01, v2;
	v4 =	vmul.f32 $4.500000000e+00, v22  }
0xd6: {  	[tilespmem:$0x880] =	vst v1;
	v34 =	vadd.f32 $5.000000000e-01, v3;
	v35 =	vmul.f32 $4.500000000e+00, v26  }
0xd7: {  	[tilespmem:$0x890] =	vst v2;
	v36 =	vadd.f32 $5.000000000e-01, v4;
	v37 =	vmul.f32 $4.500000000e+00, v30  }
0xd8: {  	[tilespmem:$0x8A0] =	vst v34;
	v38 =	vadd.f32 $5.000000000e-01, v35;
	v0 =	vmul.f32 $4.500000000e+00, v32;
	v39 =	vpop (erf)  }
0xd9: {  	[tilespmem:$0x8B0] =	vst v36;
	v40 =	vadd.f32 $5.000000000e-01, v37;
	v3 =	vmul.f32 $4.500000000e+00, v39  }
0xda: {  	[tilespmem:$0x8C0] =	vst v38;
	v0 =	vadd.f32 $5.000000000e-01, v0  }
0xdb: {  	[tilespmem:$0x8D0] =	vst v40;
	v41 =	vadd.f32 $5.000000000e-01, v3  }
0xdc: {  	[tilespmem:$0x8E0] =	vst v0  }
0xdd: {  	[tilespmem:$0x8F0] =	vst v41  }
0xde: {  	_ =	swait.ge [sflag:s10], $0x80  }
0xdf: {  	[sflag:s10] =	ssyncset.done $0x0  }
0xe0: {  	[sflag:s10] =	ssyncadd.s32 $0xFFFFFF80  }
0xe1: {  	_ =	swait.ge [sflag:s11], $0x80  }
0xe2: {  	[sflag:s11] =	ssyncset.done $0x0  }
0xe3: {  	[sflag:s11] =	ssyncadd.s32 $0xFFFFFF80  }
0xe4: {  	v42 =	vld [tilespmem:$0x500]  }
0xe5: {  	v43 =	vld [tilespmem:$0x700];
	_ =	sdelay $0x4  }
0xe6: {  	v0 =	vadd.f32 v43, v42;
	_ =	sdelay $0x1  }
0xe7: {  	v0 =	vsub.f32 $0.0e+00, v0;
	_ =	sdelay $0x1  }
0xe8: {  	v0 =	vmul.f32 $1.442695020e+00, v0;
	_ =	sdelay $0x1  }
0xe9: {  	(erf) = vpow2.f32 v0  }
0xea: {  	v44 =	vld [tilespmem:$0x510]  }
0xeb: {  	v45 =	vld [tilespmem:$0x710];
	_ =	sdelay $0x4  }
0xec: {  	v0 =	vadd.f32 v45, v44;
	_ =	sdelay $0x1  }
0xed: {  	v0 =	vsub.f32 $0.0e+00, v0;
	v46 =	vpop (erf)  }
0xee: {  	v1 =	vadd.f32 $1.000000000e+00, v46  }
0xef: {  	v0 =	vmul.f32 $1.442695020e+00, v0  }
0xf0: {  	(erf) = vrcp.f32 v1  }
0xf1: {  	(erf) = vpow2.f32 v0  }
0xf2: {  	v47 =	vld [tilespmem:$0x520]  }
0xf3: {  	v48 =	vld [tilespmem:$0x720];
	_ =	sdelay $0x4  }
0xf4: {  	v0 =	vadd.f32 v48, v47  }
0xf5: {  	v49 =	vpop (erf)  }
0xf6: {  	v0 =	vsub.f32 $0.0e+00, v0;
	v50 =	vpop (erf)  }
0xf7: {  	v2 =	vadd.f32 $1.000000000e+00, v50  }
0xf8: {  	v0 =	vmul.f32 $1.442695020e+00, v0  }
0xf9: {  	(erf) = vrcp.f32 v2  }
0xfa: {  	(erf) = vpow2.f32 v0  }
0xfb: {  	v51 =	vld [tilespmem:$0x530]  }
0xfc: {  	v52 =	vld [tilespmem:$0x730];
	_ =	sdelay $0x4  }
0xfd: {  	v0 =	vadd.f32 v52, v51  }
0xfe: {  	v53 =	vpop (erf)  }
0xff: {  	v0 =	vsub.f32 $0.0e+00, v0;
	v54 =	vpop (erf)  }
0x100: {  	v3 =	vadd.f32 $1.000000000e+00, v54  }
0x101: {  	v0 =	vmul.f32 $1.442695020e+00, v0  }
0x102: {  	(erf) = vrcp.f32 v3  }
0x103: {  	(erf) = vpow2.f32 v0  }
0x104: {  	v55 =	vld [tilespmem:$0x540]  }
0x105: {  	v56 =	vld [tilespmem:$0x740];
	_ =	sdelay $0x4  }
0x106: {  	v0 =	vadd.f32 v56, v55  }
0x107: {  	v57 =	vpop (erf)  }
0x108: {  	v0 =	vsub.f32 $0.0e+00, v0;
	v58 =	vpop (erf)  }
0x109: {  	v4 =	vadd.f32 $1.000000000e+00, v58  }
0x10a: {  	v0 =	vmul.f32 $1.442695020e+00, v0  }
0x10b: {  	(erf) = vrcp.f32 v4  }
0x10c: {  	(erf) = vpow2.f32 v0  }
0x10d: {  	v59 =	vld [tilespmem:$0x550]  }
0x10e: {  	v60 =	vld [tilespmem:$0x750];
	_ =	sdelay $0x4  }
0x10f: {  	v0 =	vadd.f32 v60, v59  }
0x110: {  	v61 =	vpop (erf)  }
0x111: {  	v0 =	vsub.f32 $0.0e+00, v0;
	v62 =	vpop (erf)  }
0x112: {  	v5 =	vadd.f32 $1.000000000e+00, v62  }
0x113: {  	v0 =	vmul.f32 $1.442695020e+00, v0  }
0x114: {  	(erf) = vrcp.f32 v5  }
0x115: {  	(erf) = vpow2.f32 v0  }
0x116: {  	v63 =	vld [tilespmem:$0x560]  }
0x117: {  	v8 =	vld [tilespmem:$0x760];
	_ =	sdelay $0x4  }
0x118: {  	v0 =	vadd.f32 v8, v63  }
0x119: {  	v9 =	vpop (erf)  }
0x11a: {  	v0 =	vsub.f32 $0.0e+00, v0;
	v10 =	vpop (erf)  }
0x11b: {  	v6 =	vadd.f32 $1.000000000e+00, v10  }
0x11c: {  	v0 =	vmul.f32 $1.442695020e+00, v0  }
0x11d: {  	(erf) = vrcp.f32 v6  }
0x11e: {  	(erf) = vpow2.f32 v0  }
0x11f: {  	v11 =	vld [tilespmem:$0x570]  }
0x120: {  	v12 =	vld [tilespmem:$0x770];
	_ =	sdelay $0x4  }
0x121: {  	v0 =	vadd.f32 v12, v11  }
0x122: {  	v13 =	vpop (erf)  }
0x123: {  	v0 =	vsub.f32 $0.0e+00, v0;
	v14 =	vpop (erf)  }
0x124: {  	v7 =	vadd.f32 $1.000000000e+00, v14  }
0x125: {  	v0 =	vmul.f32 $1.442695020e+00, v0  }
0x126: {  	(erf) = vrcp.f32 v7  }
0x127: {  	(erf) = vpow2.f32 v0;
	_ =	sdelay $0x7  }
0x128: {  	v15 =	vpop (erf)  }
0x129: {  	v16 =	vpop (erf)  }
0x12a: {  	v7 =	vadd.f32 $1.000000000e+00, v16;
	_ =	sdelay $0x1  }
0x12b: {  	(erf) = vrcp.f32 v7;
	_ =	sdelay $0x2  }
0x12c: {  	v1 =	vmul.f32 $4.500000000e+00, v49  }
0x12d: {  	v2 =	vmul.f32 $4.500000000e+00, v53  }
0x12e: {  	v1 =	vadd.f32 $5.000000000e-01, v1;
	v3 =	vmul.f32 $4.500000000e+00, v57  }
0x12f: {  	v2 =	vadd.f32 $5.000000000e-01, v2;
	v4 =	vmul.f32 $4.500000000e+00, v61  }
0x130: {  	[tilespmem:$0x900] =	vst v1;
	v17 =	vadd.f32 $5.000000000e-01, v3;
	v18 =	vmul.f32 $4.500000000e+00, v9  }
0x131: {  	[tilespmem:$0x910] =	vst v2;
	v19 =	vadd.f32 $5.000000000e-01, v4;
	v20 =	vmul.f32 $4.500000000e+00, v13  }
0x132: {  	[tilespmem:$0x920] =	vst v17;
	v21 =	vadd.f32 $5.000000000e-01, v18;
	v0 =	vmul.f32 $4.500000000e+00, v15;
	v22 =	vpop (erf)  }
0x133: {  	[tilespmem:$0x930] =	vst v19;
	v23 =	vadd.f32 $5.000000000e-01, v20;
	v3 =	vmul.f32 $4.500000000e+00, v22  }
0x134: {  	[tilespmem:$0x940] =	vst v21;
	v0 =	vadd.f32 $5.000000000e-01, v0  }
0x135: {  	[tilespmem:$0x950] =	vst v23;
	v24 =	vadd.f32 $5.000000000e-01, v3  }
0x136: {  	[tilespmem:$0x960] =	vst v0  }
0x137: {  	[tilespmem:$0x970] =	vst v24  }
0x138: {  	_ =	swait.ge [sflag:s10], $0x80  }
0x139: {  	[sflag:s10] =	ssyncset.done $0x0  }
0x13a: {  	[sflag:s10] =	ssyncadd.s32 $0xFFFFFF80  }
0x13b: {  	_ =	swait.ge [sflag:s11], $0x80  }
0x13c: {  	[sflag:s11] =	ssyncset.done $0x0  }
0x13d: {  	[sflag:s11] =	ssyncadd.s32 $0xFFFFFF80  }
0x13e: {  	v25 =	vld [tilespmem:$0x580]  }
0x13f: {  	v26 =	vld [tilespmem:$0x780];
	_ =	sdelay $0x4  }
0x140: {  	v0 =	vadd.f32 v26, v25;
	_ =	sdelay $0x1  }
0x141: {  	v0 =	vsub.f32 $0.0e+00, v0;
	_ =	sdelay $0x1  }
0x142: {  	v0 =	vmul.f32 $1.442695020e+00, v0;
	_ =	sdelay $0x1  }
0x143: {  	(erf) = vpow2.f32 v0  }
0x144: {  	v27 =	vld [tilespmem:$0x590]  }
0x145: {  	v28 =	vld [tilespmem:$0x790];
	_ =	sdelay $0x4  }
0x146: {  	v0 =	vadd.f32 v28, v27;
	_ =	sdelay $0x1  }
0x147: {  	v0 =	vsub.f32 $0.0e+00, v0;
	v29 =	vpop (erf)  }
0x148: {  	v1 =	vadd.f32 $1.000000000e+00, v29  }
0x149: {  	v0 =	vmul.f32 $1.442695020e+00, v0  }
0x14a: {  	(erf) = vrcp.f32 v1  }
0x14b: {  	(erf) = vpow2.f32 v0  }
0x14c: {  	v30 =	vld [tilespmem:$0x5A0]  }
0x14d: {  	v31 =	vld [tilespmem:$0x7A0];
	_ =	sdelay $0x4  }
0x14e: {  	v0 =	vadd.f32 v31, v30  }
0x14f: {  	v32 =	vpop (erf)  }
0x150: {  	v0 =	vsub.f32 $0.0e+00, v0;
	v33 =	vpop (erf)  }
0x151: {  	v2 =	vadd.f32 $1.000000000e+00, v33  }
0x152: {  	v0 =	vmul.f32 $1.442695020e+00, v0  }
0x153: {  	(erf) = vrcp.f32 v2  }
0x154: {  	(erf) = vpow2.f32 v0  }
0x155: {  	v34 =	vld [tilespmem:$0x5B0]  }
0x156: {  	v35 =	vld [tilespmem:$0x7B0];
	_ =	sdelay $0x4  }
0x157: {  	v0 =	vadd.f32 v35, v34  }
0x158: {  	v36 =	vpop (erf)  }
0x159: {  	v0 =	vsub.f32 $0.0e+00, v0;
	v37 =	vpop (erf)  }
0x15a: {  	v3 =	vadd.f32 $1.000000000e+00, v37  }
0x15b: {  	v0 =	vmul.f32 $1.442695020e+00, v0  }
0x15c: {  	(erf) = vrcp.f32 v3  }
0x15d: {  	(erf) = vpow2.f32 v0  }
0x15e: {  	v38 =	vld [tilespmem:$0x5C0]  }
0x15f: {  	v39 =	vld [tilespmem:$0x7C0];
	_ =	sdelay $0x4  }
0x160: {  	v0 =	vadd.f32 v39, v38  }
0x161: {  	v40 =	vpop (erf)  }
0x162: {  	v0 =	vsub.f32 $0.0e+00, v0;
	v41 =	vpop (erf)  }
0x163: {  	v4 =	vadd.f32 $1.000000000e+00, v41  }
0x164: {  	v0 =	vmul.f32 $1.442695020e+00, v0  }
0x165: {  	(erf) = vrcp.f32 v4  }
0x166: {  	(erf) = vpow2.f32 v0  }
0x167: {  	v42 =	vld [tilespmem:$0x5D0]  }
0x168: {  	v43 =	vld [tilespmem:$0x7D0];
	_ =	sdelay $0x4  }
0x169: {  	v0 =	vadd.f32 v43, v42  }
0x16a: {  	v44 =	vpop (erf)  }
0x16b: {  	v0 =	vsub.f32 $0.0e+00, v0;
	v45 =	vpop (erf)  }
0x16c: {  	v5 =	vadd.f32 $1.000000000e+00, v45  }
0x16d: {  	v0 =	vmul.f32 $1.442695020e+00, v0  }
0x16e: {  	(erf) = vrcp.f32 v5  }
0x16f: {  	(erf) = vpow2.f32 v0  }
0x170: {  	v46 =	vld [tilespmem:$0x5E0]  }
0x171: {  	v47 =	vld [tilespmem:$0x7E0];
	_ =	sdelay $0x4  }
0x172: {  	v0 =	vadd.f32 v47, v46  }
0x173: {  	v48 =	vpop (erf)  }
0x174: {  	v0 =	vsub.f32 $0.0e+00, v0;
	v49 =	vpop (erf)  }
0x175: {  	v6 =	vadd.f32 $1.000000000e+00, v49  }
0x176: {  	v0 =	vmul.f32 $1.442695020e+00, v0  }
0x177: {  	(erf) = vrcp.f32 v6  }
0x178: {  	(erf) = vpow2.f32 v0  }
0x179: {  	v50 =	vld [tilespmem:$0x5F0]  }
0x17a: {  	v51 =	vld [tilespmem:$0x7F0];
	_ =	sdelay $0x4  }
0x17b: {  	v0 =	vadd.f32 v51, v50  }
0x17c: {  	v52 =	vpop (erf)  }
0x17d: {  	v0 =	vsub.f32 $0.0e+00, v0;
	v53 =	vpop (erf)  }
0x17e: {  	v7 =	vadd.f32 $1.000000000e+00, v53  }
0x17f: {  	v0 =	vmul.f32 $1.442695020e+00, v0  }
0x180: {  	(erf) = vrcp.f32 v7  }
0x181: {  	(erf) = vpow2.f32 v0;
	_ =	sdelay $0x7  }
0x182: {  	v54 =	vpop (erf)  }
0x183: {  	v55 =	vpop (erf)  }
0x184: {  	v7 =	vadd.f32 $1.000000000e+00, v55;
	_ =	sdelay $0x1  }
0x185: {  	(erf) = vrcp.f32 v7;
	_ =	sdelay $0x2  }
0x186: {  	v1 =	vmul.f32 $4.500000000e+00, v32  }
0x187: {  	v2 =	vmul.f32 $4.500000000e+00, v36  }
0x188: {  	v1 =	vadd.f32 $5.000000000e-01, v1;
	v3 =	vmul.f32 $4.500000000e+00, v40  }
0x189: {  	v2 =	vadd.f32 $5.000000000e-01, v2;
	v4 =	vmul.f32 $4.500000000e+00, v44  }
0x18a: {  	[tilespmem:$0x980] =	vst v1;
	v56 =	vadd.f32 $5.000000000e-01, v3;
	v57 =	vmul.f32 $4.500000000e+00, v48  }
0x18b: {  	[tilespmem:$0x990] =	vst v2;
	v58 =	vadd.f32 $5.000000000e-01, v4;
	v59 =	vmul.f32 $4.500000000e+00, v52  }
0x18c: {  	[tilespmem:$0x9A0] =	vst v56;
	v60 =	vadd.f32 $5.000000000e-01, v57;
	v0 =	vmul.f32 $4.500000000e+00, v54;
	v61 =	vpop (erf)  }
0x18d: {  	[tilespmem:$0x9B0] =	vst v58;
	v62 =	vadd.f32 $5.000000000e-01, v59;
	v3 =	vmul.f32 $4.500000000e+00, v61  }
0x18e: {  	[tilespmem:$0x9C0] =	vst v60;
	v0 =	vadd.f32 $5.000000000e-01, v0  }
0x18f: {  	[tilespmem:$0x9D0] =	vst v62;
	v63 =	vadd.f32 $5.000000000e-01, v3  }
0x190: {  	p0 =	sne.s32 s8, $0x1;
	[tilespmem:$0x9E0] =	vst v0  }
.Ltmp0:
0x191: {  	[tilespmem:$0x9F0] =	vst v63;
	(pc) =	sbr.rel @p0 .LBB2_1-.Ltmp0, $4  }
0x192: {  	[hbm4b:s7+s1] =	stream.linear.scatter [tilespmem:s26], [sflag:$0x3], $0x200, $0x38;
	[tilespmem:$0xA00] =	vst v63  }
0x193: {  	_ =	swait.ge [sflag:s28], $0x200  }
0x194: {  	[sflag:s28] =	ssyncset.done $0x0  }
0x195: {  	s8 =	sadd.s32 $0xFFFFFFFF, s8;
	[sflag:s28] =	ssyncadd.s32 $0xFFFFFE00  }
0x196: {  	_ =	sfence.sel $0x180000  }
0x197: {  	[bflag:$0x0] =	sbarrier.arrive $0xFFFF  }
0x198: {  	p0 =	sne.s32 s2, $0x0;
	_ =	strace $0x90000047  }
0x199: {  	s0 =	sadd.s32 @!p0 $0x100000, s0;
	[bflag:$0x2] =	sbarrier.arrive $0xFFFF  }
0x19a: {  	[sflag:s0] =	ssyncadd.tile.s32 @!p0 $0x1;
	_ =	shalt  }
.Lfunc_end2:
_tile_overlayer_lowered:
.L_overlay_start_2:
0x19b: {  	(tag) =	ssettag $0x2  }
0x19c: {  	s0 =	rddreg [dreg:$0x0];
	s2 =	stileid.u32  }
0x19d: {  	s1 =	rddreg [dreg:$0x1];
	p0 =	sne.s32 s2, $0x0  }
0x19e: {  	s3 =	rddreg [dreg:$0x2];
	[bflag:$0x3] =	sbarrier.arrive $0xFFFF;
	s2 =	simm.s32 @!p0 $0x1C03  }
0x19f: {  	[timem:s3], [sflag:s2] =	dma.local @!p0 [hbm:s0], s1  }
0x1a0: {  	s0 =	simm.s32 @!p0 $0x3  }
0x1a1: {  	_ =	swait.ge @!p0 [sflag:s0], s1  }
0x1a2: {  	s1 =	ssub.s32 @!p0 $0x0, s1;
	[sflag:s0] =	ssyncset.done @!p0 $0x0  }
0x1a3: {  	[sflag:s0] =	ssyncadd.s32 @!p0 s1  }
0x1a4: {  	[bflag:$0x3] =	sbarrier.arrive $0xFFFF  }
0x1a5: {  	_ =	shalt  }

</sc_bundles>
